<compile_context>
chip_gen: v7x
topology: tpu7x:2x2x1
jax: 0.10.2.dev20260603
libtpu: 0.0.44.dev20260713+nightly
codegen_flags: <defaults>
</compile_context>

<pallas_src>
import jax
import jax.numpy as jnp
from jax import lax
from jax.experimental import pallas as pl
from jax.experimental.pallas import tpu as pltpu
from jax.experimental.pallas import tpu_sc as plsc

N = 100000
D = 128
G = 1024

NC = 2
NS = 16
NW = NC * NS

CHUNK = 128
FULL = N // CHUNK
TAIL = N - FULL * CHUNK
BASE = FULL // NW
EXTRA = FULL - BASE * NW
NBUF = 3
OUTER = (BASE + 1 + NBUF - 1) // NBUF

ROWS_PER_TILE = G // NS


def _seg_body(h_hbm, batch_hbm, out_hbm, hb0, hb1, hb2, ib0, ib1, ib2,
              tbuf, tibuf, zbuf, acc, ps0, ps1, ps2, ss0, ss1, ss2):
    cid = lax.axis_index("c")
    sid = lax.axis_index("s")
    wid = sid * NC + cid
    HB = (hb0, hb1, hb2)
    IB = (ib0, ib1, ib2)
    PS = (ps0, ps1, ps2)
    SS = (ss0, ss1, ss2)

    def zrow(r, carry):
        for c8 in range(D // 16):
            zbuf[r, pl.ds(c8 * 16, 16)] = jnp.zeros((16,), jnp.float32)
        return carry

    lax.fori_loop(0, ROWS_PER_TILE, zrow, 0)
    pltpu.sync_copy(zbuf, acc.at[pl.ds(sid * ROWS_PER_TILE, ROWS_PER_TILE)])
    plsc.subcore_barrier()

    c0 = BASE * wid + jnp.minimum(wid, EXTRA)
    cnt = BASE + (wid < EXTRA).astype(jnp.int32)

    def prefetch(b, k):
        off = (c0 + k) * CHUNK
        pltpu.async_copy(h_hbm.at[pl.ds(off, CHUNK)], HB[b], PS[b])
        pltpu.async_copy(batch_hbm.at[pl.ds(off, CHUNK)], IB[b], PS[b])

    for b in range(NBUF - 1):
        prefetch(b, b)

    def outer(j, carry):
        for b in range(NBUF):
            k = j * NBUF + b

            @pl.when(k < cnt)
            def _(b=b, k=k):
                pltpu.make_async_copy(
                    h_hbm.at[pl.ds(0, CHUNK)], HB[b], PS[b]).wait()
                pltpu.make_async_copy(
                    batch_hbm.at[pl.ds(0, CHUNK)], IB[b], PS[b]).wait()
                pltpu.async_copy(HB[b], acc.at[IB[b]], SS[b], add=True)
                bn = (b + NBUF - 1) % NBUF

                @pl.when(k + NBUF - 1 < cnt)
                def _():
                    @pl.when(k >= 1)
                    def _():
                        pltpu.make_async_copy(
                            HB[bn], acc.at[IB[bn]], SS[bn]).wait()
                    prefetch(bn, k + NBUF - 1)

        return carry

    lax.fori_loop(0, OUTER, outer, 0)

    for b in range(NBUF):
        pltpu.make_async_copy(HB[b], acc.at[IB[b]], SS[b]).wait()

    @pl.when(wid == NW - 1)
    def _():
        pltpu.sync_copy(h_hbm.at[pl.ds(FULL * CHUNK, TAIL)], tbuf)
        pltpu.sync_copy(batch_hbm.at[pl.ds(FULL * CHUNK, TAIL)], tibuf)
        pltpu.sync_copy(tbuf, acc.at[tibuf], add=True)

    plsc.subcore_barrier()

    pltpu.sync_copy(
        acc.at[pl.ds(sid * ROWS_PER_TILE, ROWS_PER_TILE)],
        out_hbm.at[cid, pl.ds(sid * ROWS_PER_TILE, ROWS_PER_TILE)],
    )


def _segment_sum_sc(h, batch):
    mesh = plsc.VectorSubcoreMesh(core_axis_name="c", subcore_axis_name="s")
    return pl.kernel(
        _seg_body,
        out_type=jax.ShapeDtypeStruct((NC, G, D), jnp.float32),
        mesh=mesh,
        scratch_types=[
            pltpu.VMEM((CHUNK, D), jnp.float32),
            pltpu.VMEM((CHUNK, D), jnp.float32),
            pltpu.VMEM((CHUNK, D), jnp.float32),
            pltpu.VMEM((CHUNK,), jnp.int32),
            pltpu.VMEM((CHUNK,), jnp.int32),
            pltpu.VMEM((CHUNK,), jnp.int32),
            pltpu.VMEM((TAIL, D), jnp.float32),
            pltpu.VMEM((TAIL,), jnp.int32),
            pltpu.VMEM((ROWS_PER_TILE, D), jnp.float32),
            pltpu.VMEM_SHARED((G, D), jnp.float32),
            pltpu.SemaphoreType.DMA,
            pltpu.SemaphoreType.DMA,
            pltpu.SemaphoreType.DMA,
            pltpu.SemaphoreType.DMA,
            pltpu.SemaphoreType.DMA,
            pltpu.SemaphoreType.DMA,
        ],
    )(h, batch)


def _mlp_body(p_ref, v_ref, wt_ref, b_ref, o_ref):
    pooled = p_ref[0] + p_ref[1]
    o_ref[...] = (
        v_ref[...]
        + jnp.dot(pooled, wt_ref[...], preferred_element_type=jnp.float32)
        + b_ref[...]
    )


def _mlp_tc(part, v, w_t, b2):
    return pl.pallas_call(
        _mlp_body,
        out_shape=jax.ShapeDtypeStruct((G, D), jnp.float32),
    )(part, v, w_t, b2)


def kernel(h, batch, v, W, b):
    part = _segment_sum_sc(h, batch.astype(jnp.int32))
    return _mlp_tc(part, v, W.T, b.reshape(1, D))

# --- scband reference (transcript-rebuilt; emitter-appended) ---
"""Pipeline reference for scband-virtual-node-22754736734324 (READ-ONLY COPY).

The authoritative reference and input builder live on the scoring server;
editing this copy changes nothing except your own understanding.
"""

import jax, jax.numpy as jnp
import numpy as np

N = 100000
D = 128
G = 1024

def setup_inputs(seed: int = 0) -> dict:
    key = jax.random.key(seed)
    k1, k2, k3, k4, k5 = jax.random.split(key, 5)
    h = jax.random.normal(k1, (N, D), dtype=jnp.float32)
    batch = jnp.sort(jax.random.randint(k2, (N,), 0, G))
    v = jax.random.normal(k3, (G, D), dtype=jnp.float32)
    lim = 1.0 / np.sqrt(D)
    W = jax.random.uniform(k4, (D, D), minval=-lim, maxval=lim, dtype=jnp.float32)
    b = jax.random.uniform(k5, (D,), minval=-lim, maxval=lim, dtype=jnp.float32)
    return {"h": h, "batch": batch, "v": v, "W": W, "b": b}

def reference(h, batch, v, W, b):
    # pool_fn = sum readout over nodes per graph (segment sum)
    pooled = jax.ops.segment_sum(h, batch, num_segments=G)
    # updater = single Linear(hidden_dim, hidden_dim) (mlp([D, D]) has no hidden layers)
    updated = pooled @ W.T + b
    return v + updated

if __name__ == "__main__":
    import jax
    _d = setup_inputs()
    print(jax.jit(kernel)(*tuple(_d.values())))

</pallas_src>

<mosaic_0001>
#map = affine_map<(d0, d1) -> (0, 0)>
#map1 = affine_map<(d0, d1) -> (0)>
#map2 = affine_map<(d0, d1) -> (0, 0, 0)>
module attributes {stable_mosaic.version = 14 : i64} {
  func.func @_seg_body(%arg0: i32, %arg1: i32, %arg2: memref<100000x128xf32, #tpu.memory_space<hbm>>, %arg3: memref<100000xi32, #tpu.memory_space<hbm>>, %arg4: memref<2x1024x128xf32, #tpu.memory_space<hbm>>, %arg5: memref<128x128xf32, #tpu.memory_space<vmem>>, %arg6: memref<128x128xf32, #tpu.memory_space<vmem>>, %arg7: memref<128x128xf32, #tpu.memory_space<vmem>>, %arg8: memref<128xi32, #tpu.memory_space<vmem>>, %arg9: memref<128xi32, #tpu.memory_space<vmem>>, %arg10: memref<128xi32, #tpu.memory_space<vmem>>, %arg11: memref<32x128xf32, #tpu.memory_space<vmem>>, %arg12: memref<32xi32, #tpu.memory_space<vmem>>, %arg13: memref<64x128xf32, #tpu.memory_space<vmem>>, %arg14: memref<1024x128xf32, #tpu.memory_space<vmem_shared>>, %arg15: memref<!tpu.dma_semaphore, #tpu.memory_space<semaphore_mem>>, %arg16: memref<!tpu.dma_semaphore, #tpu.memory_space<semaphore_mem>>, %arg17: memref<!tpu.dma_semaphore, #tpu.memory_space<semaphore_mem>>, %arg18: memref<!tpu.dma_semaphore, #tpu.memory_space<semaphore_mem>>, %arg19: memref<!tpu.dma_semaphore, #tpu.memory_space<semaphore_mem>>, %arg20: memref<!tpu.dma_semaphore, #tpu.memory_space<semaphore_mem>>) attributes {dimension_semantics = [#tpu.dimension_semantics<core_parallel>, #tpu.dimension_semantics<subcore_parallel>], iteration_bounds = array<i64: 2, 16>, scalar_prefetch = 0 : i64, scratch_operands = 16 : i64, tpu.core_type = #tpu.core_type<sc_vector_subcore>, window_params = [{transform_indices = #map}, {transform_indices = #map1}, {transform_indices = #map2}]} {
    %mul3A = arith.constant 2 : i32
    %mul3A_0 = arith.muli %arg1, %mul3A : i32
    %add3A = arith.addi %mul3A_0, %arg0 : i32
    %scan3A = arith.constant 0 : i32
    %scan3A_1 = arith.constant 0 : i32
    %scan3A_2 = arith.constant 64 : i32
    %scan3A_3 = arith.addi %scan3A_1, %scan3A_2 : i32
    %scan3A_4 = arith.constant 1 : i32
    scf.for %scan3A_56 = %scan3A_1 to %scan3A_3 step %scan3A_4  : i32 {
      %broadcast_in_dim3A = arith.constant 0.000000e+00 : f32
      %broadcast_in_dim3A_57 = vector.broadcast %broadcast_in_dim3A : f32 to vector<16xf32>
      %swap3A = arith.index_cast %scan3A_56 : i32 to index
      %swap3A_58 = arith.constant 0 : index
      %swap3A_59 = tpu.vector_load %arg13[%swap3A, %swap3A_58] {strides = array<i32>} : memref<64x128xf32, #tpu.memory_space<vmem>>, vector<1x16xf32>,
      %swap3A_60 = vector.shape_cast %swap3A_59 : vector<1x16xf32> to vector<16xf32>
      %swap3A_61 = vector.shape_cast %broadcast_in_dim3A_57 : vector<16xf32> to vector<1x16xf32>
      tpu.vector_store %arg13[%swap3A, %swap3A_58], %swap3A_61 {strides = array<i32>} : memref<64x128xf32, #tpu.memory_space<vmem>>, vector<1x16xf32>,
      %broadcast_in_dim3A_62 = arith.constant 0.000000e+00 : f32
      %broadcast_in_dim3A_63 = vector.broadcast %broadcast_in_dim3A_62 : f32 to vector<16xf32>
      %swap3A_64 = arith.index_cast %scan3A_56 : i32 to index
      %swap3A_65 = arith.constant 16 : index
      %swap3A_66 = tpu.vector_load %arg13[%swap3A_64, %swap3A_65] {strides = array<i32>} : memref<64x128xf32, #tpu.memory_space<vmem>>, vector<1x16xf32>,
      %swap3A_67 = vector.shape_cast %swap3A_66 : vector<1x16xf32> to vector<16xf32>
      %swap3A_68 = vector.shape_cast %broadcast_in_dim3A_63 : vector<16xf32> to vector<1x16xf32>
      tpu.vector_store %arg13[%swap3A_64, %swap3A_65], %swap3A_68 {strides = array<i32>} : memref<64x128xf32, #tpu.memory_space<vmem>>, vector<1x16xf32>,
      %broadcast_in_dim3A_69 = arith.constant 0.000000e+00 : f32
      %broadcast_in_dim3A_70 = vector.broadcast %broadcast_in_dim3A_69 : f32 to vector<16xf32>
      %swap3A_71 = arith.index_cast %scan3A_56 : i32 to index
      %swap3A_72 = arith.constant 32 : index
      %swap3A_73 = tpu.vector_load %arg13[%swap3A_71, %swap3A_72] {strides = array<i32>} : memref<64x128xf32, #tpu.memory_space<vmem>>, vector<1x16xf32>,
      %swap3A_74 = vector.shape_cast %swap3A_73 : vector<1x16xf32> to vector<16xf32>
      %swap3A_75 = vector.shape_cast %broadcast_in_dim3A_70 : vector<16xf32> to vector<1x16xf32>
      tpu.vector_store %arg13[%swap3A_71, %swap3A_72], %swap3A_75 {strides = array<i32>} : memref<64x128xf32, #tpu.memory_space<vmem>>, vector<1x16xf32>,
      %broadcast_in_dim3A_76 = arith.constant 0.000000e+00 : f32
      %broadcast_in_dim3A_77 = vector.broadcast %broadcast_in_dim3A_76 : f32 to vector<16xf32>
      %swap3A_78 = arith.index_cast %scan3A_56 : i32 to index
      %swap3A_79 = arith.constant 48 : index
      %swap3A_80 = tpu.vector_load %arg13[%swap3A_78, %swap3A_79] {strides = array<i32>} : memref<64x128xf32, #tpu.memory_space<vmem>>, vector<1x16xf32>,
      %swap3A_81 = vector.shape_cast %swap3A_80 : vector<1x16xf32> to vector<16xf32>
      %swap3A_82 = vector.shape_cast %broadcast_in_dim3A_77 : vector<16xf32> to vector<1x16xf32>
      tpu.vector_store %arg13[%swap3A_78, %swap3A_79], %swap3A_82 {strides = array<i32>} : memref<64x128xf32, #tpu.memory_space<vmem>>, vector<1x16xf32>,
      %broadcast_in_dim3A_83 = arith.constant 0.000000e+00 : f32
      %broadcast_in_dim3A_84 = vector.broadcast %broadcast_in_dim3A_83 : f32 to vector<16xf32>
      %swap3A_85 = arith.index_cast %scan3A_56 : i32 to index
      %swap3A_86 = arith.constant 64 : index
      %swap3A_87 = tpu.vector_load %arg13[%swap3A_85, %swap3A_86] {strides = array<i32>} : memref<64x128xf32, #tpu.memory_space<vmem>>, vector<1x16xf32>,
      %swap3A_88 = vector.shape_cast %swap3A_87 : vector<1x16xf32> to vector<16xf32>
      %swap3A_89 = vector.shape_cast %broadcast_in_dim3A_84 : vector<16xf32> to vector<1x16xf32>
      tpu.vector_store %arg13[%swap3A_85, %swap3A_86], %swap3A_89 {strides = array<i32>} : memref<64x128xf32, #tpu.memory_space<vmem>>, vector<1x16xf32>,
      %broadcast_in_dim3A_90 = arith.constant 0.000000e+00 : f32
      %broadcast_in_dim3A_91 = vector.broadcast %broadcast_in_dim3A_90 : f32 to vector<16xf32>
      %swap3A_92 = arith.index_cast %scan3A_56 : i32 to index
      %swap3A_93 = arith.constant 80 : index
      %swap3A_94 = tpu.vector_load %arg13[%swap3A_92, %swap3A_93] {strides = array<i32>} : memref<64x128xf32, #tpu.memory_space<vmem>>, vector<1x16xf32>,
      %swap3A_95 = vector.shape_cast %swap3A_94 : vector<1x16xf32> to vector<16xf32>
      %swap3A_96 = vector.shape_cast %broadcast_in_dim3A_91 : vector<16xf32> to vector<1x16xf32>
      tpu.vector_store %arg13[%swap3A_92, %swap3A_93], %swap3A_96 {strides = array<i32>} : memref<64x128xf32, #tpu.memory_space<vmem>>, vector<1x16xf32>,
      %broadcast_in_dim3A_97 = arith.constant 0.000000e+00 : f32
      %broadcast_in_dim3A_98 = vector.broadcast %broadcast_in_dim3A_97 : f32 to vector<16xf32>
      %swap3A_99 = arith.index_cast %scan3A_56 : i32 to index
      %swap3A_100 = arith.constant 96 : index
      %swap3A_101 = tpu.vector_load %arg13[%swap3A_99, %swap3A_100] {strides = array<i32>} : memref<64x128xf32, #tpu.memory_space<vmem>>, vector<1x16xf32>,
      %swap3A_102 = vector.shape_cast %swap3A_101 : vector<1x16xf32> to vector<16xf32>
      %swap3A_103 = vector.shape_cast %broadcast_in_dim3A_98 : vector<16xf32> to vector<1x16xf32>
      tpu.vector_store %arg13[%swap3A_99, %swap3A_100], %swap3A_103 {strides = array<i32>} : memref<64x128xf32, #tpu.memory_space<vmem>>, vector<1x16xf32>,
      %broadcast_in_dim3A_104 = arith.constant 0.000000e+00 : f32
      %broadcast_in_dim3A_105 = vector.broadcast %broadcast_in_dim3A_104 : f32 to vector<16xf32>
      %swap3A_106 = arith.index_cast %scan3A_56 : i32 to index
      %swap3A_107 = arith.constant 112 : index
      %swap3A_108 = tpu.vector_load %arg13[%swap3A_106, %swap3A_107] {strides = array<i32>} : memref<64x128xf32, #tpu.memory_space<vmem>>, vector<1x16xf32>,
      %swap3A_109 = vector.shape_cast %swap3A_108 : vector<1x16xf32> to vector<16xf32>
      %swap3A_110 = vector.shape_cast %broadcast_in_dim3A_105 : vector<16xf32> to vector<1x16xf32>
      tpu.vector_store %arg13[%swap3A_106, %swap3A_107], %swap3A_110 {strides = array<i32>} : memref<64x128xf32, #tpu.memory_space<vmem>>, vector<1x16xf32>,
    }
    %scan3A_5 = arith.constant 64 : i32
    %mul3A_6 = arith.constant 64 : i32
    %mul3A_7 = arith.muli %arg1, %mul3A_6 : i32
    "tpu.region"() ({
      %run_scoped3A = tpu.sem_alloc : memref<!tpu.dma_semaphore, #tpu.memory_space<semaphore_mem>>
      %dma_start3A_56 = arith.constant 0 : i32
      %dma_start3A_57 = tpu.memref_slice %arg14[%mul3A_7, %dma_start3A_56] : memref<1024x128xf32, #tpu.memory_space<vmem_shared>> -> memref<64x128xf32, #tpu.memory_space<vmem_shared>>
      %dma_start3A_58 = arith.constant 0 : i32
      %dma_start3A_59 = tpu.memref_slice %arg14[%mul3A_7, %dma_start3A_58] : memref<1024x128xf32, #tpu.memory_space<vmem_shared>> -> memref<64x128xf32, #tpu.memory_space<vmem_shared>>
      tpu.enqueue_dma source(%arg13 : memref<64x128xf32, #tpu.memory_space<vmem>>) target(%dma_start3A_59 : memref<64x128xf32, #tpu.memory_space<vmem_shared>>) target_semaphore(%run_scoped3A : memref<!tpu.dma_semaphore, #tpu.memory_space<semaphore_mem>>)
      %dma_wait3A_60 = arith.constant 0 : i32
      %dma_wait3A_61 = tpu.memref_slice %arg14[%mul3A_7, %dma_wait3A_60] : memref<1024x128xf32, #tpu.memory_space<vmem_shared>> -> memref<64x128xf32, #tpu.memory_space<vmem_shared>>
      %dma_wait3A_62 = arith.constant 0 : i32
      %dma_wait3A_63 = tpu.memref_slice %arg14[%mul3A_7, %dma_wait3A_62] : memref<1024x128xf32, #tpu.memory_space<vmem_shared>> -> memref<64x128xf32, #tpu.memory_space<vmem_shared>>
      tpu.wait_dma2 semaphore(%run_scoped3A : memref<!tpu.dma_semaphore, #tpu.memory_space<semaphore_mem>>) src(%arg13 : memref<64x128xf32, #tpu.memory_space<vmem>>) dst(%dma_wait3A_63 : memref<64x128xf32, #tpu.memory_space<vmem_shared>>)
      tpu.yield
    }) : () -> ()
    %barrier3A = arith.constant 0 : index
    tpu.barrier barrier_id(%barrier3A)
    %mul3A_8 = arith.constant 24 : i32
    %mul3A_9 = arith.muli %mul3A_8, %add3A : i32
    %min3A = arith.constant 13 : i32
    %min3A_10 = arith.minsi %add3A, %min3A : i32
    %add3A_11 = arith.addi %mul3A_9, %min3A_10 : i32
    %lt3A = arith.constant 13 : i32
    %lt3A_12 = arith.cmpi slt, %add3A, %lt3A : i32
    %convert_element_type3A = arith.extui %lt3A_12 : i1 to i32
    %add3A_13 = arith.constant 24 : i32
    %add3A_14 = arith.addi %add3A_13, %convert_element_type3A : i32
    %add3A_15 = arith.constant 0 : i32
    %add3A_16 = arith.addi %add3A_11, %add3A_15 : i32
    %mul3A_17 = arith.constant 128 : i32
    %mul3A_18 = arith.muli %add3A_16, %mul3A_17 : i32
    %dma_start3A = arith.constant 0 : i32
    %dma_start3A_19 = tpu.memref_slice %arg2[%mul3A_18, %dma_start3A] : memref<100000x128xf32, #tpu.memory_space<hbm>> -> memref<128x128xf32, #tpu.memory_space<hbm>>
    %dma_start3A_20 = arith.constant 0 : i32
    %dma_start3A_21 = tpu.memref_slice %arg2[%mul3A_18, %dma_start3A_20] : memref<100000x128xf32, #tpu.memory_space<hbm>> -> memref<128x128xf32, #tpu.memory_space<hbm>>
    tpu.enqueue_dma source(%dma_start3A_21 : memref<128x128xf32, #tpu.memory_space<hbm>>) target(%arg5 : memref<128x128xf32, #tpu.memory_space<vmem>>) target_semaphore(%arg15 : memref<!tpu.dma_semaphore, #tpu.memory_space<semaphore_mem>>)
    %dma_start3A_22 = tpu.memref_slice %arg3[%mul3A_18] : memref<100000xi32, #tpu.memory_space<hbm>> -> memref<128xi32, #tpu.memory_space<hbm>>
    %dma_start3A_23 = tpu.memref_slice %arg3[%mul3A_18] : memref<100000xi32, #tpu.memory_space<hbm>> -> memref<128xi32, #tpu.memory_space<hbm>>
    tpu.enqueue_dma source(%dma_start3A_23 : memref<128xi32, #tpu.memory_space<hbm>>) target(%arg8 : memref<128xi32, #tpu.memory_space<vmem>>) target_semaphore(%arg15 : memref<!tpu.dma_semaphore, #tpu.memory_space<semaphore_mem>>)
    %add3A_24 = arith.constant 1 : i32
    %add3A_25 = arith.addi %add3A_11, %add3A_24 : i32
    %mul3A_26 = arith.constant 128 : i32
    %mul3A_27 = arith.muli %add3A_25, %mul3A_26 : i32
    %dma_start3A_28 = arith.constant 0 : i32
    %dma_start3A_29 = tpu.memref_slice %arg2[%mul3A_27, %dma_start3A_28] : memref<100000x128xf32, #tpu.memory_space<hbm>> -> memref<128x128xf32, #tpu.memory_space<hbm>>
    %dma_start3A_30 = arith.constant 0 : i32
    %dma_start3A_31 = tpu.memref_slice %arg2[%mul3A_27, %dma_start3A_30] : memref<100000x128xf32, #tpu.memory_space<hbm>> -> memref<128x128xf32, #tpu.memory_space<hbm>>
    tpu.enqueue_dma source(%dma_start3A_31 : memref<128x128xf32, #tpu.memory_space<hbm>>) target(%arg6 : memref<128x128xf32, #tpu.memory_space<vmem>>) target_semaphore(%arg16 : memref<!tpu.dma_semaphore, #tpu.memory_space<semaphore_mem>>)
    %dma_start3A_32 = tpu.memref_slice %arg3[%mul3A_27] : memref<100000xi32, #tpu.memory_space<hbm>> -> memref<128xi32, #tpu.memory_space<hbm>>
    %dma_start3A_33 = tpu.memref_slice %arg3[%mul3A_27] : memref<100000xi32, #tpu.memory_space<hbm>> -> memref<128xi32, #tpu.memory_space<hbm>>
    tpu.enqueue_dma source(%dma_start3A_33 : memref<128xi32, #tpu.memory_space<hbm>>) target(%arg9 : memref<128xi32, #tpu.memory_space<vmem>>) target_semaphore(%arg16 : memref<!tpu.dma_semaphore, #tpu.memory_space<semaphore_mem>>)
    %scan3A_34 = arith.constant 0 : i32
    %scan3A_35 = arith.constant 0 : i32
    %scan3A_36 = arith.constant 9 : i32
    %scan3A_37 = arith.addi %scan3A_35, %scan3A_36 : i32
    %scan3A_38 = arith.constant 1 : i32
    scf.for %scan3A_56 = %scan3A_35 to %scan3A_37 step %scan3A_38  : i32 {
      %mul3A_57 = arith.constant 3 : i32
      %mul3A_58 = arith.muli %scan3A_56, %mul3A_57 : i32
      %add3A_59 = arith.constant 0 : i32
      %add3A_60 = arith.addi %mul3A_58, %add3A_59 : i32
      %lt3A_61 = arith.cmpi slt, %add3A_60, %add3A_14 : i32
      %convert_element_type3A_62 = arith.extui %lt3A_61 : i1 to i32
      %cond3A_63 = arith.constant 0 : i32
      %cond3A_64 = arith.cmpi ne, %convert_element_type3A_62, %cond3A_63 : i32
      scf.if %cond3A_64 {
        %dma_wait3A_81 = arith.constant 0 : i32
        %dma_wait3A_82 = arith.constant 0 : i32
        %dma_wait3A_83 = tpu.memref_slice %arg2[%dma_wait3A_81, %dma_wait3A_82] : memref<100000x128xf32, #tpu.memory_space<hbm>> -> memref<128x128xf32, #tpu.memory_space<hbm>>
        %dma_wait3A_84 = arith.constant 0 : i32
        %dma_wait3A_85 = arith.constant 0 : i32
        %dma_wait3A_86 = tpu.memref_slice %arg2[%dma_wait3A_84, %dma_wait3A_85] : memref<100000x128xf32, #tpu.memory_space<hbm>> -> memref<128x128xf32, #tpu.memory_space<hbm>>
        tpu.wait_dma2 semaphore(%arg15 : memref<!tpu.dma_semaphore, #tpu.memory_space<semaphore_mem>>) src(%dma_wait3A_86 : memref<128x128xf32, #tpu.memory_space<hbm>>) dst(%arg5 : memref<128x128xf32, #tpu.memory_space<vmem>>)
        %dma_wait3A_87 = arith.constant 0 : i32
        %dma_wait3A_88 = tpu.memref_slice %arg3[%dma_wait3A_87] : memref<100000xi32, #tpu.memory_space<hbm>> -> memref<128xi32, #tpu.memory_space<hbm>>
        %dma_wait3A_89 = arith.constant 0 : i32
        %dma_wait3A_90 = tpu.memref_slice %arg3[%dma_wait3A_89] : memref<100000xi32, #tpu.memory_space<hbm>> -> memref<128xi32, #tpu.memory_space<hbm>>
        tpu.wait_dma2 semaphore(%arg15 : memref<!tpu.dma_semaphore, #tpu.memory_space<semaphore_mem>>) src(%dma_wait3A_90 : memref<128xi32, #tpu.memory_space<hbm>>) dst(%arg8 : memref<128xi32, #tpu.memory_space<vmem>>)
        %dma_start3A_91 = arith.constant 0 : i32
        %dma_start3A_92 = arith.constant 0 : i32
        %dma_start3A_93 = tpu.memref_slice %arg14[%dma_start3A_91, %dma_start3A_92] : memref<1024x128xf32, #tpu.memory_space<vmem_shared>> -> memref<1024x128xf32, #tpu.memory_space<vmem_shared>>
        tpu.enqueue_indirect_dma source(%arg5 : memref<128x128xf32, #tpu.memory_space<vmem>>) target(%dma_start3A_93 : memref<1024x128xf32, #tpu.memory_space<vmem_shared>>) offsets(%arg8 : memref<128xi32, #tpu.memory_space<vmem>>) semaphore(%arg18 : memref<!tpu.dma_semaphore, #tpu.memory_space<semaphore_mem>>) {add = true}
        %add3A_94 = arith.constant 3 : i32
        %add3A_95 = arith.addi %add3A_60, %add3A_94 : i32
        %sub3A = arith.constant 1 : i32
        %sub3A_96 = arith.subi %add3A_95, %sub3A : i32
        %lt3A_97 = arith.cmpi slt, %sub3A_96, %add3A_14 : i32
        %convert_element_type3A_98 = arith.extui %lt3A_97 : i1 to i32
        %cond3A_99 = arith.constant 0 : i32
        %cond3A_100 = arith.cmpi ne, %convert_element_type3A_98, %cond3A_99 : i32
        scf.if %cond3A_100 {
          %ge3A = arith.constant 1 : i32
          %ge3A_101 = arith.cmpi sge, %add3A_60, %ge3A : i32
          %convert_element_type3A_102 = arith.extui %ge3A_101 : i1 to i32
          %cond3A_103 = arith.constant 0 : i32
          %cond3A_104 = arith.cmpi ne, %convert_element_type3A_102, %cond3A_103 : i32
          scf.if %cond3A_104 {
            %dma_wait3A_118 = arith.constant 0 : i32
            %dma_wait3A_119 = arith.constant 0 : i32
            %dma_wait3A_120 = tpu.memref_slice %arg14[%dma_wait3A_118, %dma_wait3A_119] : memref<1024x128xf32, #tpu.memory_space<vmem_shared>> -> memref<1024x128xf32, #tpu.memory_space<vmem_shared>>
            tpu.wait_indirect_dma semaphore(%arg20 : memref<!tpu.dma_semaphore, #tpu.memory_space<semaphore_mem>>) src(%arg7 : memref<128x128xf32, #tpu.memory_space<vmem>>) dst(%dma_wait3A_120 : memref<1024x128xf32, #tpu.memory_space<vmem_shared>>)
          } else {
          }
          %add3A_105 = arith.constant 3 : i32
          %add3A_106 = arith.addi %add3A_60, %add3A_105 : i32
          %sub3A_107 = arith.constant 1 : i32
          %sub3A_108 = arith.subi %add3A_106, %sub3A_107 : i32
          %add3A_109 = arith.addi %add3A_11, %sub3A_108 : i32
          %mul3A_110 = arith.constant 128 : i32
          %mul3A_111 = arith.muli %add3A_109, %mul3A_110 : i32
          %dma_start3A_112 = arith.constant 0 : i32
          %dma_start3A_113 = tpu.memref_slice %arg2[%mul3A_111, %dma_start3A_112] : memref<100000x128xf32, #tpu.memory_space<hbm>> -> memref<128x128xf32, #tpu.memory_space<hbm>>
          %dma_start3A_114 = arith.constant 0 : i32
          %dma_start3A_115 = tpu.memref_slice %arg2[%mul3A_111, %dma_start3A_114] : memref<100000x128xf32, #tpu.memory_space<hbm>> -> memref<128x128xf32, #tpu.memory_space<hbm>>
          tpu.enqueue_dma source(%dma_start3A_115 : memref<128x128xf32, #tpu.memory_space<hbm>>) target(%arg7 : memref<128x128xf32, #tpu.memory_space<vmem>>) target_semaphore(%arg17 : memref<!tpu.dma_semaphore, #tpu.memory_space<semaphore_mem>>)
          %dma_start3A_116 = tpu.memref_slice %arg3[%mul3A_111] : memref<100000xi32, #tpu.memory_space<hbm>> -> memref<128xi32, #tpu.memory_space<hbm>>
          %dma_start3A_117 = tpu.memref_slice %arg3[%mul3A_111] : memref<100000xi32, #tpu.memory_space<hbm>> -> memref<128xi32, #tpu.memory_space<hbm>>
          tpu.enqueue_dma source(%dma_start3A_117 : memref<128xi32, #tpu.memory_space<hbm>>) target(%arg10 : memref<128xi32, #tpu.memory_space<vmem>>) target_semaphore(%arg17 : memref<!tpu.dma_semaphore, #tpu.memory_space<semaphore_mem>>)
        } else {
        }
      } else {
      }
      %mul3A_65 = arith.constant 3 : i32
      %mul3A_66 = arith.muli %scan3A_56, %mul3A_65 : i32
      %add3A_67 = arith.constant 1 : i32
      %add3A_68 = arith.addi %mul3A_66, %add3A_67 : i32
      %lt3A_69 = arith.cmpi slt, %add3A_68, %add3A_14 : i32
      %convert_element_type3A_70 = arith.extui %lt3A_69 : i1 to i32
      %cond3A_71 = arith.constant 0 : i32
      %cond3A_72 = arith.cmpi ne, %convert_element_type3A_70, %cond3A_71 : i32
      scf.if %cond3A_72 {
        %dma_wait3A_81 = arith.constant 0 : i32
        %dma_wait3A_82 = arith.constant 0 : i32
        %dma_wait3A_83 = tpu.memref_slice %arg2[%dma_wait3A_81, %dma_wait3A_82] : memref<100000x128xf32, #tpu.memory_space<hbm>> -> memref<128x128xf32, #tpu.memory_space<hbm>>
        %dma_wait3A_84 = arith.constant 0 : i32
        %dma_wait3A_85 = arith.constant 0 : i32
        %dma_wait3A_86 = tpu.memref_slice %arg2[%dma_wait3A_84, %dma_wait3A_85] : memref<100000x128xf32, #tpu.memory_space<hbm>> -> memref<128x128xf32, #tpu.memory_space<hbm>>
        tpu.wait_dma2 semaphore(%arg16 : memref<!tpu.dma_semaphore, #tpu.memory_space<semaphore_mem>>) src(%dma_wait3A_86 : memref<128x128xf32, #tpu.memory_space<hbm>>) dst(%arg6 : memref<128x128xf32, #tpu.memory_space<vmem>>)
        %dma_wait3A_87 = arith.constant 0 : i32
        %dma_wait3A_88 = tpu.memref_slice %arg3[%dma_wait3A_87] : memref<100000xi32, #tpu.memory_space<hbm>> -> memref<128xi32, #tpu.memory_space<hbm>>
        %dma_wait3A_89 = arith.constant 0 : i32
        %dma_wait3A_90 = tpu.memref_slice %arg3[%dma_wait3A_89] : memref<100000xi32, #tpu.memory_space<hbm>> -> memref<128xi32, #tpu.memory_space<hbm>>
        tpu.wait_dma2 semaphore(%arg16 : memref<!tpu.dma_semaphore, #tpu.memory_space<semaphore_mem>>) src(%dma_wait3A_90 : memref<128xi32, #tpu.memory_space<hbm>>) dst(%arg9 : memref<128xi32, #tpu.memory_space<vmem>>)
        %dma_start3A_91 = arith.constant 0 : i32
        %dma_start3A_92 = arith.constant 0 : i32
        %dma_start3A_93 = tpu.memref_slice %arg14[%dma_start3A_91, %dma_start3A_92] : memref<1024x128xf32, #tpu.memory_space<vmem_shared>> -> memref<1024x128xf32, #tpu.memory_space<vmem_shared>>
        tpu.enqueue_indirect_dma source(%arg6 : memref<128x128xf32, #tpu.memory_space<vmem>>) target(%dma_start3A_93 : memref<1024x128xf32, #tpu.memory_space<vmem_shared>>) offsets(%arg9 : memref<128xi32, #tpu.memory_space<vmem>>) semaphore(%arg19 : memref<!tpu.dma_semaphore, #tpu.memory_space<semaphore_mem>>) {add = true}
        %add3A_94 = arith.constant 3 : i32
        %add3A_95 = arith.addi %add3A_68, %add3A_94 : i32
        %sub3A = arith.constant 1 : i32
        %sub3A_96 = arith.subi %add3A_95, %sub3A : i32
        %lt3A_97 = arith.cmpi slt, %sub3A_96, %add3A_14 : i32
        %convert_element_type3A_98 = arith.extui %lt3A_97 : i1 to i32
        %cond3A_99 = arith.constant 0 : i32
        %cond3A_100 = arith.cmpi ne, %convert_element_type3A_98, %cond3A_99 : i32
        scf.if %cond3A_100 {
          %ge3A = arith.constant 1 : i32
          %ge3A_101 = arith.cmpi sge, %add3A_68, %ge3A : i32
          %convert_element_type3A_102 = arith.extui %ge3A_101 : i1 to i32
          %cond3A_103 = arith.constant 0 : i32
          %cond3A_104 = arith.cmpi ne, %convert_element_type3A_102, %cond3A_103 : i32
          scf.if %cond3A_104 {
            %dma_wait3A_118 = arith.constant 0 : i32
            %dma_wait3A_119 = arith.constant 0 : i32
            %dma_wait3A_120 = tpu.memref_slice %arg14[%dma_wait3A_118, %dma_wait3A_119] : memref<1024x128xf32, #tpu.memory_space<vmem_shared>> -> memref<1024x128xf32, #tpu.memory_space<vmem_shared>>
            tpu.wait_indirect_dma semaphore(%arg18 : memref<!tpu.dma_semaphore, #tpu.memory_space<semaphore_mem>>) src(%arg5 : memref<128x128xf32, #tpu.memory_space<vmem>>) dst(%dma_wait3A_120 : memref<1024x128xf32, #tpu.memory_space<vmem_shared>>)
          } else {
          }
          %add3A_105 = arith.constant 3 : i32
          %add3A_106 = arith.addi %add3A_68, %add3A_105 : i32
          %sub3A_107 = arith.constant 1 : i32
          %sub3A_108 = arith.subi %add3A_106, %sub3A_107 : i32
          %add3A_109 = arith.addi %add3A_11, %sub3A_108 : i32
          %mul3A_110 = arith.constant 128 : i32
          %mul3A_111 = arith.muli %add3A_109, %mul3A_110 : i32
          %dma_start3A_112 = arith.constant 0 : i32
          %dma_start3A_113 = tpu.memref_slice %arg2[%mul3A_111, %dma_start3A_112] : memref<100000x128xf32, #tpu.memory_space<hbm>> -> memref<128x128xf32, #tpu.memory_space<hbm>>
          %dma_start3A_114 = arith.constant 0 : i32
          %dma_start3A_115 = tpu.memref_slice %arg2[%mul3A_111, %dma_start3A_114] : memref<100000x128xf32, #tpu.memory_space<hbm>> -> memref<128x128xf32, #tpu.memory_space<hbm>>
          tpu.enqueue_dma source(%dma_start3A_115 : memref<128x128xf32, #tpu.memory_space<hbm>>) target(%arg5 : memref<128x128xf32, #tpu.memory_space<vmem>>) target_semaphore(%arg15 : memref<!tpu.dma_semaphore, #tpu.memory_space<semaphore_mem>>)
          %dma_start3A_116 = tpu.memref_slice %arg3[%mul3A_111] : memref<100000xi32, #tpu.memory_space<hbm>> -> memref<128xi32, #tpu.memory_space<hbm>>
          %dma_start3A_117 = tpu.memref_slice %arg3[%mul3A_111] : memref<100000xi32, #tpu.memory_space<hbm>> -> memref<128xi32, #tpu.memory_space<hbm>>
          tpu.enqueue_dma source(%dma_start3A_117 : memref<128xi32, #tpu.memory_space<hbm>>) target(%arg8 : memref<128xi32, #tpu.memory_space<vmem>>) target_semaphore(%arg15 : memref<!tpu.dma_semaphore, #tpu.memory_space<semaphore_mem>>)
        } else {
        }
      } else {
      }
      %mul3A_73 = arith.constant 3 : i32
      %mul3A_74 = arith.muli %scan3A_56, %mul3A_73 : i32
      %add3A_75 = arith.constant 2 : i32
      %add3A_76 = arith.addi %mul3A_74, %add3A_75 : i32
      %lt3A_77 = arith.cmpi slt, %add3A_76, %add3A_14 : i32
      %convert_element_type3A_78 = arith.extui %lt3A_77 : i1 to i32
      %cond3A_79 = arith.constant 0 : i32
      %cond3A_80 = arith.cmpi ne, %convert_element_type3A_78, %cond3A_79 : i32
      scf.if %cond3A_80 {
        %dma_wait3A_81 = arith.constant 0 : i32
        %dma_wait3A_82 = arith.constant 0 : i32
        %dma_wait3A_83 = tpu.memref_slice %arg2[%dma_wait3A_81, %dma_wait3A_82] : memref<100000x128xf32, #tpu.memory_space<hbm>> -> memref<128x128xf32, #tpu.memory_space<hbm>>
        %dma_wait3A_84 = arith.constant 0 : i32
        %dma_wait3A_85 = arith.constant 0 : i32
        %dma_wait3A_86 = tpu.memref_slice %arg2[%dma_wait3A_84, %dma_wait3A_85] : memref<100000x128xf32, #tpu.memory_space<hbm>> -> memref<128x128xf32, #tpu.memory_space<hbm>>
        tpu.wait_dma2 semaphore(%arg17 : memref<!tpu.dma_semaphore, #tpu.memory_space<semaphore_mem>>) src(%dma_wait3A_86 : memref<128x128xf32, #tpu.memory_space<hbm>>) dst(%arg7 : memref<128x128xf32, #tpu.memory_space<vmem>>)
        %dma_wait3A_87 = arith.constant 0 : i32
        %dma_wait3A_88 = tpu.memref_slice %arg3[%dma_wait3A_87] : memref<100000xi32, #tpu.memory_space<hbm>> -> memref<128xi32, #tpu.memory_space<hbm>>
        %dma_wait3A_89 = arith.constant 0 : i32
        %dma_wait3A_90 = tpu.memref_slice %arg3[%dma_wait3A_89] : memref<100000xi32, #tpu.memory_space<hbm>> -> memref<128xi32, #tpu.memory_space<hbm>>
        tpu.wait_dma2 semaphore(%arg17 : memref<!tpu.dma_semaphore, #tpu.memory_space<semaphore_mem>>) src(%dma_wait3A_90 : memref<128xi32, #tpu.memory_space<hbm>>) dst(%arg10 : memref<128xi32, #tpu.memory_space<vmem>>)
        %dma_start3A_91 = arith.constant 0 : i32
        %dma_start3A_92 = arith.constant 0 : i32
        %dma_start3A_93 = tpu.memref_slice %arg14[%dma_start3A_91, %dma_start3A_92] : memref<1024x128xf32, #tpu.memory_space<vmem_shared>> -> memref<1024x128xf32, #tpu.memory_space<vmem_shared>>
        tpu.enqueue_indirect_dma source(%arg7 : memref<128x128xf32, #tpu.memory_space<vmem>>) target(%dma_start3A_93 : memref<1024x128xf32, #tpu.memory_space<vmem_shared>>) offsets(%arg10 : memref<128xi32, #tpu.memory_space<vmem>>) semaphore(%arg20 : memref<!tpu.dma_semaphore, #tpu.memory_space<semaphore_mem>>) {add = true}
        %add3A_94 = arith.constant 3 : i32
        %add3A_95 = arith.addi %add3A_76, %add3A_94 : i32
        %sub3A = arith.constant 1 : i32
        %sub3A_96 = arith.subi %add3A_95, %sub3A : i32
        %lt3A_97 = arith.cmpi slt, %sub3A_96, %add3A_14 : i32
        %convert_element_type3A_98 = arith.extui %lt3A_97 : i1 to i32
        %cond3A_99 = arith.constant 0 : i32
        %cond3A_100 = arith.cmpi ne, %convert_element_type3A_98, %cond3A_99 : i32
        scf.if %cond3A_100 {
          %ge3A = arith.constant 1 : i32
          %ge3A_101 = arith.cmpi sge, %add3A_76, %ge3A : i32
          %convert_element_type3A_102 = arith.extui %ge3A_101 : i1 to i32
          %cond3A_103 = arith.constant 0 : i32
          %cond3A_104 = arith.cmpi ne, %convert_element_type3A_102, %cond3A_103 : i32
          scf.if %cond3A_104 {
            %dma_wait3A_118 = arith.constant 0 : i32
            %dma_wait3A_119 = arith.constant 0 : i32
            %dma_wait3A_120 = tpu.memref_slice %arg14[%dma_wait3A_118, %dma_wait3A_119] : memref<1024x128xf32, #tpu.memory_space<vmem_shared>> -> memref<1024x128xf32, #tpu.memory_space<vmem_shared>>
            tpu.wait_indirect_dma semaphore(%arg19 : memref<!tpu.dma_semaphore, #tpu.memory_space<semaphore_mem>>) src(%arg6 : memref<128x128xf32, #tpu.memory_space<vmem>>) dst(%dma_wait3A_120 : memref<1024x128xf32, #tpu.memory_space<vmem_shared>>)
          } else {
          }
          %add3A_105 = arith.constant 3 : i32
          %add3A_106 = arith.addi %add3A_76, %add3A_105 : i32
          %sub3A_107 = arith.constant 1 : i32
          %sub3A_108 = arith.subi %add3A_106, %sub3A_107 : i32
          %add3A_109 = arith.addi %add3A_11, %sub3A_108 : i32
          %mul3A_110 = arith.constant 128 : i32
          %mul3A_111 = arith.muli %add3A_109, %mul3A_110 : i32
          %dma_start3A_112 = arith.constant 0 : i32
          %dma_start3A_113 = tpu.memref_slice %arg2[%mul3A_111, %dma_start3A_112] : memref<100000x128xf32, #tpu.memory_space<hbm>> -> memref<128x128xf32, #tpu.memory_space<hbm>>
          %dma_start3A_114 = arith.constant 0 : i32
          %dma_start3A_115 = tpu.memref_slice %arg2[%mul3A_111, %dma_start3A_114] : memref<100000x128xf32, #tpu.memory_space<hbm>> -> memref<128x128xf32, #tpu.memory_space<hbm>>
          tpu.enqueue_dma source(%dma_start3A_115 : memref<128x128xf32, #tpu.memory_space<hbm>>) target(%arg6 : memref<128x128xf32, #tpu.memory_space<vmem>>) target_semaphore(%arg16 : memref<!tpu.dma_semaphore, #tpu.memory_space<semaphore_mem>>)
          %dma_start3A_116 = tpu.memref_slice %arg3[%mul3A_111] : memref<100000xi32, #tpu.memory_space<hbm>> -> memref<128xi32, #tpu.memory_space<hbm>>
          %dma_start3A_117 = tpu.memref_slice %arg3[%mul3A_111] : memref<100000xi32, #tpu.memory_space<hbm>> -> memref<128xi32, #tpu.memory_space<hbm>>
          tpu.enqueue_dma source(%dma_start3A_117 : memref<128xi32, #tpu.memory_space<hbm>>) target(%arg9 : memref<128xi32, #tpu.memory_space<vmem>>) target_semaphore(%arg16 : memref<!tpu.dma_semaphore, #tpu.memory_space<semaphore_mem>>)
        } else {
        }
      } else {
      }
    }
    %scan3A_39 = arith.constant 9 : i32
    %dma_wait3A = arith.constant 0 : i32
    %dma_wait3A_40 = arith.constant 0 : i32
    %dma_wait3A_41 = tpu.memref_slice %arg14[%dma_wait3A, %dma_wait3A_40] : memref<1024x128xf32, #tpu.memory_space<vmem_shared>> -> memref<1024x128xf32, #tpu.memory_space<vmem_shared>>
    tpu.wait_indirect_dma semaphore(%arg18 : memref<!tpu.dma_semaphore, #tpu.memory_space<semaphore_mem>>) src(%arg5 : memref<128x128xf32, #tpu.memory_space<vmem>>) dst(%dma_wait3A_41 : memref<1024x128xf32, #tpu.memory_space<vmem_shared>>)
    %dma_wait3A_42 = arith.constant 0 : i32
    %dma_wait3A_43 = arith.constant 0 : i32
    %dma_wait3A_44 = tpu.memref_slice %arg14[%dma_wait3A_42, %dma_wait3A_43] : memref<1024x128xf32, #tpu.memory_space<vmem_shared>> -> memref<1024x128xf32, #tpu.memory_space<vmem_shared>>
    tpu.wait_indirect_dma semaphore(%arg19 : memref<!tpu.dma_semaphore, #tpu.memory_space<semaphore_mem>>) src(%arg6 : memref<128x128xf32, #tpu.memory_space<vmem>>) dst(%dma_wait3A_44 : memref<1024x128xf32, #tpu.memory_space<vmem_shared>>)
    %dma_wait3A_45 = arith.constant 0 : i32
    %dma_wait3A_46 = arith.constant 0 : i32
    %dma_wait3A_47 = tpu.memref_slice %arg14[%dma_wait3A_45, %dma_wait3A_46] : memref<1024x128xf32, #tpu.memory_space<vmem_shared>> -> memref<1024x128xf32, #tpu.memory_space<vmem_shared>>
    tpu.wait_indirect_dma semaphore(%arg20 : memref<!tpu.dma_semaphore, #tpu.memory_space<semaphore_mem>>) src(%arg7 : memref<128x128xf32, #tpu.memory_space<vmem>>) dst(%dma_wait3A_47 : memref<1024x128xf32, #tpu.memory_space<vmem_shared>>)
    %eq3A = arith.constant 31 : i32
    %eq3A_48 = arith.cmpi eq, %add3A, %eq3A : i32
    %convert_element_type3A_49 = arith.extui %eq3A_48 : i1 to i32
    %cond3A = arith.constant 0 : i32
    %cond3A_50 = arith.cmpi ne, %convert_element_type3A_49, %cond3A : i32
    scf.if %cond3A_50 {
      "tpu.region"() ({
        %run_scoped3A = tpu.sem_alloc : memref<!tpu.dma_semaphore, #tpu.memory_space<semaphore_mem>>
        %dma_start3A_56 = arith.constant 99968 : i32
        %dma_start3A_57 = arith.constant 0 : i32
        %dma_start3A_58 = tpu.memref_slice %arg2[%dma_start3A_56, %dma_start3A_57] : memref<100000x128xf32, #tpu.memory_space<hbm>> -> memref<32x128xf32, #tpu.memory_space<hbm>>
        %dma_start3A_59 = arith.constant 99968 : i32
        %dma_start3A_60 = arith.constant 0 : i32
        %dma_start3A_61 = tpu.memref_slice %arg2[%dma_start3A_59, %dma_start3A_60] : memref<100000x128xf32, #tpu.memory_space<hbm>> -> memref<32x128xf32, #tpu.memory_space<hbm>>
        tpu.enqueue_dma source(%dma_start3A_61 : memref<32x128xf32, #tpu.memory_space<hbm>>) target(%arg11 : memref<32x128xf32, #tpu.memory_space<vmem>>) target_semaphore(%run_scoped3A : memref<!tpu.dma_semaphore, #tpu.memory_space<semaphore_mem>>)
        %dma_wait3A_62 = arith.constant 99968 : i32
        %dma_wait3A_63 = arith.constant 0 : i32
        %dma_wait3A_64 = tpu.memref_slice %arg2[%dma_wait3A_62, %dma_wait3A_63] : memref<100000x128xf32, #tpu.memory_space<hbm>> -> memref<32x128xf32, #tpu.memory_space<hbm>>
        %dma_wait3A_65 = arith.constant 99968 : i32
        %dma_wait3A_66 = arith.constant 0 : i32
        %dma_wait3A_67 = tpu.memref_slice %arg2[%dma_wait3A_65, %dma_wait3A_66] : memref<100000x128xf32, #tpu.memory_space<hbm>> -> memref<32x128xf32, #tpu.memory_space<hbm>>
        tpu.wait_dma2 semaphore(%run_scoped3A : memref<!tpu.dma_semaphore, #tpu.memory_space<semaphore_mem>>) src(%dma_wait3A_67 : memref<32x128xf32, #tpu.memory_space<hbm>>) dst(%arg11 : memref<32x128xf32, #tpu.memory_space<vmem>>)
        tpu.yield
      }) : () -> ()
      "tpu.region"() ({
        %run_scoped3A = tpu.sem_alloc : memref<!tpu.dma_semaphore, #tpu.memory_space<semaphore_mem>>
        %dma_start3A_56 = arith.constant 99968 : i32
        %dma_start3A_57 = tpu.memref_slice %arg3[%dma_start3A_56] : memref<100000xi32, #tpu.memory_space<hbm>> -> memref<32xi32, #tpu.memory_space<hbm>>
        %dma_start3A_58 = arith.constant 99968 : i32
        %dma_start3A_59 = tpu.memref_slice %arg3[%dma_start3A_58] : memref<100000xi32, #tpu.memory_space<hbm>> -> memref<32xi32, #tpu.memory_space<hbm>>
        tpu.enqueue_dma source(%dma_start3A_59 : memref<32xi32, #tpu.memory_space<hbm>>) target(%arg12 : memref<32xi32, #tpu.memory_space<vmem>>) target_semaphore(%run_scoped3A : memref<!tpu.dma_semaphore, #tpu.memory_space<semaphore_mem>>)
        %dma_wait3A_60 = arith.constant 99968 : i32
        %dma_wait3A_61 = tpu.memref_slice %arg3[%dma_wait3A_60] : memref<100000xi32, #tpu.memory_space<hbm>> -> memref<32xi32, #tpu.memory_space<hbm>>
        %dma_wait3A_62 = arith.constant 99968 : i32
        %dma_wait3A_63 = tpu.memref_slice %arg3[%dma_wait3A_62] : memref<100000xi32, #tpu.memory_space<hbm>> -> memref<32xi32, #tpu.memory_space<hbm>>
        tpu.wait_dma2 semaphore(%run_scoped3A : memref<!tpu.dma_semaphore, #tpu.memory_space<semaphore_mem>>) src(%dma_wait3A_63 : memref<32xi32, #tpu.memory_space<hbm>>) dst(%arg12 : memref<32xi32, #tpu.memory_space<vmem>>)
        tpu.yield
      }) : () -> ()
      "tpu.region"() ({
        %run_scoped3A = tpu.sem_alloc : memref<!tpu.dma_semaphore, #tpu.memory_space<semaphore_mem>>
        %dma_start3A_56 = arith.constant 0 : i32
        %dma_start3A_57 = arith.constant 0 : i32
        %dma_start3A_58 = tpu.memref_slice %arg14[%dma_start3A_56, %dma_start3A_57] : memref<1024x128xf32, #tpu.memory_space<vmem_shared>> -> memref<1024x128xf32, #tpu.memory_space<vmem_shared>>
        tpu.enqueue_indirect_dma source(%arg11 : memref<32x128xf32, #tpu.memory_space<vmem>>) target(%dma_start3A_58 : memref<1024x128xf32, #tpu.memory_space<vmem_shared>>) offsets(%arg12 : memref<32xi32, #tpu.memory_space<vmem>>) semaphore(%run_scoped3A : memref<!tpu.dma_semaphore, #tpu.memory_space<semaphore_mem>>) {add = true}
        %dma_wait3A_59 = arith.constant 0 : i32
        %dma_wait3A_60 = arith.constant 0 : i32
        %dma_wait3A_61 = tpu.memref_slice %arg14[%dma_wait3A_59, %dma_wait3A_60] : memref<1024x128xf32, #tpu.memory_space<vmem_shared>> -> memref<1024x128xf32, #tpu.memory_space<vmem_shared>>
        tpu.wait_indirect_dma semaphore(%run_scoped3A : memref<!tpu.dma_semaphore, #tpu.memory_space<semaphore_mem>>) src(%arg11 : memref<32x128xf32, #tpu.memory_space<vmem>>) dst(%dma_wait3A_61 : memref<1024x128xf32, #tpu.memory_space<vmem_shared>>)
        tpu.yield
      }) : () -> ()
    } else {
    }
    %barrier3A_51 = arith.constant 0 : index
    tpu.barrier barrier_id(%barrier3A_51)
    %mul3A_52 = arith.constant 64 : i32
    %mul3A_53 = arith.muli %arg1, %mul3A_52 : i32
    %mul3A_54 = arith.constant 64 : i32
    %mul3A_55 = arith.muli %arg1, %mul3A_54 : i32
    "tpu.region"() ({
      %run_scoped3A = tpu.sem_alloc : memref<!tpu.dma_semaphore, #tpu.memory_space<semaphore_mem>>
      %dma_start3A_56 = arith.constant 0 : i32
      %dma_start3A_57 = tpu.memref_slice %arg4[%arg0, %mul3A_55, %dma_start3A_56] : memref<2x1024x128xf32, #tpu.memory_space<hbm>> -> memref<1x64x128xf32, #tpu.memory_space<hbm>>
      %dma_start3A_58 = tpu.memref_squeeze %dma_start3A_57 : memref<1x64x128xf32, #tpu.memory_space<hbm>> -> memref<64x128xf32, #tpu.memory_space<hbm>>
      %dma_start3A_59 = arith.constant 0 : i32
      %dma_start3A_60 = tpu.memref_slice %arg14[%mul3A_53, %dma_start3A_59] : memref<1024x128xf32, #tpu.memory_space<vmem_shared>> -> memref<64x128xf32, #tpu.memory_space<vmem_shared>>
      tpu.enqueue_dma source(%dma_start3A_60 : memref<64x128xf32, #tpu.memory_space<vmem_shared>>) target(%dma_start3A_58 : memref<64x128xf32, #tpu.memory_space<hbm>>) target_semaphore(%run_scoped3A : memref<!tpu.dma_semaphore, #tpu.memory_space<semaphore_mem>>)
      %dma_wait3A_61 = arith.constant 0 : i32
      %dma_wait3A_62 = tpu.memref_slice %arg4[%arg0, %mul3A_55, %dma_wait3A_61] : memref<2x1024x128xf32, #tpu.memory_space<hbm>> -> memref<1x64x128xf32, #tpu.memory_space<hbm>>
      %dma_wait3A_63 = tpu.memref_squeeze %dma_wait3A_62 : memref<1x64x128xf32, #tpu.memory_space<hbm>> -> memref<64x128xf32, #tpu.memory_space<hbm>>
      %dma_wait3A_64 = arith.constant 0 : i32
      %dma_wait3A_65 = tpu.memref_slice %arg14[%mul3A_53, %dma_wait3A_64] : memref<1024x128xf32, #tpu.memory_space<vmem_shared>> -> memref<64x128xf32, #tpu.memory_space<vmem_shared>>
      tpu.wait_dma2 semaphore(%run_scoped3A : memref<!tpu.dma_semaphore, #tpu.memory_space<semaphore_mem>>) src(%dma_wait3A_65 : memref<64x128xf32, #tpu.memory_space<vmem_shared>>) dst(%dma_wait3A_63 : memref<64x128xf32, #tpu.memory_space<hbm>>)
      tpu.yield
    }) : () -> ()
    return
  }
}

module attributes {stable_mosaic.version = 14 : i64} {
  func.func @_mlp_body(%arg0: memref<2x1024x128xf32, #tpu.memory_space<vmem>>, %arg1: memref<1024x128xf32, #tpu.memory_space<vmem>>, %arg2: memref<128x128xf32, #tpu.memory_space<vmem>>, %arg3: memref<1x128xf32, #tpu.memory_space<vmem>>, %arg4: memref<1024x128xf32, #tpu.memory_space<vmem>>) attributes {dimension_semantics = [], scalar_prefetch = 0 : i64, scratch_operands = 0 : i64, tpu.core_type = #tpu.core_type<tc>} {
    %get3A = arith.constant 0 : index
    %get3A_0 = arith.constant 0 : index
    %get3A_1 = arith.constant 0 : index
    %get3A_2 = vector.load %arg0[%get3A, %get3A_0, %get3A_1] : memref<2x1024x128xf32, #tpu.memory_space<vmem>>, vector<1x1024x128xf32>
    %get3A_3 = vector.shape_cast %get3A_2 : vector<1x1024x128xf32> to vector<1024x128xf32>
    %get3A_4 = arith.constant 1 : index
    %get3A_5 = arith.constant 0 : index
    %get3A_6 = arith.constant 0 : index
    %get3A_7 = vector.load %arg0[%get3A_4, %get3A_5, %get3A_6] : memref<2x1024x128xf32, #tpu.memory_space<vmem>>, vector<1x1024x128xf32>
    %get3A_8 = vector.shape_cast %get3A_7 : vector<1x1024x128xf32> to vector<1024x128xf32>
    %add3A = arith.addf %get3A_3, %get3A_8 : vector<1024x128xf32>
    %get3A_9 = arith.constant 0 : index
    %get3A_10 = arith.constant 0 : index
    %get3A_11 = vector.load %arg1[%get3A_9, %get3A_10] : memref<1024x128xf32, #tpu.memory_space<vmem>>, vector<1024x128xf32>
    %get3A_12 = arith.constant 0 : index
    %get3A_13 = arith.constant 0 : index
    %get3A_14 = vector.load %arg2[%get3A_12, %get3A_13] : memref<128x128xf32, #tpu.memory_space<vmem>>, vector<128x128xf32>
    %dot_general3A = arith.constant dense<0.000000e+00> : vector<1024x128xf32>
    %dot_general3A_15 = tpu.matmul %add3A, %get3A_14, %dot_general3A {dimension_numbers = #tpu.dot_dimension_numbers<[1], [0], [0], [1], [0, 0, 1, 1], [], []>, transpose_lhs_hint = false} : vector<1024x128xf32>, vector<128x128xf32>, vector<1024x128xf32> -> vector<1024x128xf32>
    %add3A_16 = arith.addf %get3A_11, %dot_general3A_15 : vector<1024x128xf32>
    %get3A_17 = arith.constant 0 : index
    %get3A_18 = arith.constant 0 : index
    %get3A_19 = vector.load %arg3[%get3A_17, %get3A_18] : memref<1x128xf32, #tpu.memory_space<vmem>>, vector<1x128xf32>
    %add3A_20 = vector.broadcast %get3A_19 : vector<1x128xf32> to vector<1024x128xf32>
    %add3A_21 = arith.addf %add3A_16, %add3A_20 : vector<1024x128xf32>
    %swap3A = arith.constant 0 : index
    %swap3A_22 = arith.constant 0 : index
    %swap3A_23 = vector.load %arg4[%swap3A, %swap3A_22] : memref<1024x128xf32, #tpu.memory_space<vmem>>, vector<1024x128xf32>
    tpu.vector_store %arg4[%swap3A, %swap3A_22], %add3A_21 {strides = array<i32>} : memref<1024x128xf32, #tpu.memory_space<vmem>>, vector<1024x128xf32>,
    return
  }
}

</mosaic_0001>

<sc_bundles>
// kernel: kernel.4.cloned.1.call-start
scs
__scs_entry_jumppad:
0x0: {  	(pc) =	sbr.rel $0x88, $3  }
0x1: {  	(tag) =	ssettag $0x0;
	lr =	simm.s32 $0x1  }
0x2: {  	[smem:$0x3F9C] =	sst lr;
	_ =	strace $0xD0000000  }
0x3: {  	_ = 	snop  }
0x4: {  	_ = 	snop  }
0x5: {  	_ = 	snop  }
0x6: {  	_ = 	snop  }
0x7: {  	_ = 	snop  }
__scs_overlays_trampoline_lowered:
0x8: {  	[smem:$0x3FAB] =	sst s0  }
0x9: {  	[smem:$0x3FAC] =	sst s1  }
0xa: {  	[smem:$0x3FAD] =	sst s2  }
0xb: {  	[smem:$0x3FAE] =	sst s3  }
0xc: {  	[smem:$0x3FAF] =	sst s4  }
0xd: {  	[smem:$0x3FB0] =	sst s5  }
0xe: {  	[smem:$0x3FB1] =	sst s6  }
0xf: {  	[smem:$0x3FB2] =	sst s7  }
0x10: {  	[smem:$0x3FB3] =	sst s8  }
0x11: {  	[smem:$0x3FB4] =	sst s9;
	s0 =	simm.s32 @!p0 $0x0  }
0x12: {  	s1 =	sld [smem:$0x3F9A];
	s0 =	simm.s32 @p0 $0x1  }
0x13: {  	[smem:$0x3FB5] =	sst s0;
	s0 =	simm.s32 @!p1 $0x0  }
0x14: {  	s2 =	sld [smem:$0x3F99];
	s0 =	simm.s32 @p1 $0x1  }
0x15: {  	[smem:$0x3FB6] =	sst s0;
	s0 =	simm.s32 @!p2 $0x0  }
0x16: {  	s3 =	sld [smem:$0x3FDB];
	s0 =	simm.s32 @p2 $0x1  }
0x17: {  	s4 =	simm.s32 $0x1BF5;
	[smem:$0x3FB8] =	sst s0  }
0x18: {  	s0 =	sld [smem:$0x3F9B];
	_ =	swait.ge [sflag:s4], $0x0  }
0x19: {  	s7 =	sld [smem:$0x3F9C]  }
0x1a: {  	s8 =	sadd.s32 $0xFFFFE003, lr  }
0x1b: {  	s9 =	sadd.s32 $0xFFFFFEF7, lr;
	s5 =	simm.s32 $0xFFFFFFFF;
	p2 =	slt.u32 s8, $0xFFFFF086  }
0x1c: {  	p1 =	slt.u32 s9, $0xF7A;
	s5 =	simm.s32 @!p2 $0x0  }
0x1d: {  	s5 =	simm.s32 @p1 $0x1;
	p0 =	seq.s32 s7, s2  }
0x1e: {  	s7 =	smul.u32 @!p0 $0xF7A, s2;
	p2 =	seq.s32 @!p0 s5, $0x0  }
0x1f: {  	s9 =	smul.u32 $0xF7A, s1;
	s8 =	simm.s32 @!p0 $0x1BF5;
	p2 =	por !p2, p0  }
0x20: {  	[sflag:s8] =	ssyncset.s32 @!p0 $0xFFFFF086;
	s6 =	sadd.s32 @!p0 s3, s7;
	s7 =	simm.s32 @!p0 $0x108  }
0x21: {  	s3 =	sadd.s32 s3, s9;
	s6 =	sadd.s32 @!p0 $0x88, s6;
	s7 =	simm.s32 @p2 $0x1082  }
0x22: {  	[simem:s7], [sflag:s8] =	dma.local @!p0 [hbm:s6], $0xF7A  }
0x23: {  	s9 =	sor.u32 $0xD0000000, s2;
	s6 =	simm.s32 $0x108;
	_ =	swait.ge @!p0 [sflag:s8], $0x0  }
0x24: {  	s3 =	sadd.s32 $0x88, s3;
	s6 =	simm.s32 @!p1 $0x1082;
	[sflag:s4] =	ssyncset.s32 $0xFFFFF086  }
0x25: {  	[simem:s6], [sflag:s4] =	dma.local [hbm:s3], $0xF7A  }
0x26: {  	[smem:$0x3F9C] =	sst s1;
	(tag) =	ssettag s2;
	_ =	strace s9  }
0x27: {  	s1 =	sld [smem:$0x3FAC]  }
0x28: {  	s2 =	sld [smem:$0x3FAD]  }
0x29: {  	s4 =	sld [smem:$0x3FAF]  }
0x2a: {  	p0 =	seq.s32 s5, $0x0;
	s5 =	sld [smem:$0x3FB0]  }
0x2b: {  	s6 =	sld [smem:$0x3FB1]  }
0x2c: {  	s7 =	sld [smem:$0x3FB2]  }
0x2d: {  	s3 =	simm.s32 $0x108;
	s8 =	sld [smem:$0x3FB3]  }
0x2e: {  	s3 =	simm.s32 @!p0 $0x1082;
	s9 =	sld [smem:$0x3FB4]  }
0x2f: {  	lr =	sadd.s32 s0, s3;
	s0 =	sld [smem:$0x3FAB]  }
0x30: {  	s3 =	sld [smem:$0x3FAE]  }
0x31: {  	[smem:$0x3FB7] =	sst s10  }
0x32: {  	s10 =	sld [smem:$0x3FB5];
	_ =	sdelay $0x3  }
0x33: {  	p0 =	seq.s32 s10, $0x1;
	s10 =	sld [smem:$0x3FB7];
	_ =	sdelay $0x3  }
0x34: {  	[smem:$0x3FB7] =	sst s10  }
0x35: {  	s10 =	sld [smem:$0x3FB6];
	_ =	sdelay $0x3  }
0x36: {  	p1 =	seq.s32 s10, $0x1;
	s10 =	sld [smem:$0x3FB7];
	_ =	sdelay $0x3  }
0x37: {  	[smem:$0x3FB7] =	sst s10  }
0x38: {  	s10 =	sld [smem:$0x3FB8]  }
0x39: {  	_ = 	snop;
	(pc) =	sbr.ind lr, $3  }
0x3a: {  	_ = 	snop  }
0x3b: {  	_ = 	snop  }
0x3c: {  	p2 =	seq.s32 s10, $0x1;
	s10 =	sld [smem:$0x3FB7]  }
0x3d: {  	_ =	shalt  }
0x3e: {  	_ =	shalt  }
0x3f: {  	_ =	shalt  }
0x40: {  	_ =	shalt  }
0x41: {  	_ =	shalt  }
0x42: {  	_ =	shalt  }
0x43: {  	_ =	shalt  }
0x44: {  	_ =	shalt  }
0x45: {  	_ =	shalt  }
0x46: {  	_ =	shalt  }
0x47: {  	_ =	shalt  }
0x48: {  	_ =	shalt  }
0x49: {  	_ =	shalt  }
0x4a: {  	_ =	shalt  }
0x4b: {  	_ =	shalt  }
0x4c: {  	_ =	shalt  }
0x4d: {  	_ =	shalt  }
0x4e: {  	_ =	shalt  }
0x4f: {  	_ =	shalt  }
0x50: {  	_ =	shalt  }
0x51: {  	_ =	shalt  }
0x52: {  	_ =	shalt  }
0x53: {  	_ =	shalt  }
0x54: {  	_ =	shalt  }
0x55: {  	_ =	shalt  }
0x56: {  	_ =	shalt  }
0x57: {  	_ =	shalt  }
0x58: {  	_ =	shalt  }
0x59: {  	_ =	shalt  }
0x5a: {  	_ =	shalt  }
0x5b: {  	_ =	shalt  }
0x5c: {  	_ =	shalt  }
0x5d: {  	_ =	shalt  }
0x5e: {  	_ =	shalt  }
0x5f: {  	_ =	shalt  }
0x60: {  	_ =	shalt  }
0x61: {  	_ =	shalt  }
0x62: {  	_ =	shalt  }
0x63: {  	_ =	shalt  }
0x64: {  	_ =	shalt  }
0x65: {  	_ =	shalt  }
0x66: {  	_ =	shalt  }
0x67: {  	_ =	shalt  }
0x68: {  	_ =	shalt  }
0x69: {  	_ =	shalt  }
0x6a: {  	_ =	shalt  }
0x6b: {  	_ =	shalt  }
0x6c: {  	_ =	shalt  }
0x6d: {  	_ =	shalt  }
0x6e: {  	_ =	shalt  }
0x6f: {  	_ =	shalt  }
0x70: {  	_ =	shalt  }
0x71: {  	_ =	shalt  }
0x72: {  	_ =	shalt  }
0x73: {  	_ =	shalt  }
0x74: {  	_ =	shalt  }
0x75: {  	_ =	shalt  }
0x76: {  	_ =	shalt  }
0x77: {  	_ =	shalt  }
0x78: {  	_ =	shalt  }
0x79: {  	_ =	shalt  }
0x7a: {  	_ =	shalt  }
0x7b: {  	_ =	shalt  }
0x7c: {  	_ =	shalt  }
0x7d: {  	_ =	shalt  }
0x7e: {  	_ =	shalt  }
0x7f: {  	_ =	shalt  }
0x80: {  	_ =	shalt  }
0x81: {  	_ =	shalt  }
0x82: {  	_ =	shalt  }
0x83: {  	_ =	shalt  }
0x84: {  	_ =	shalt  }
0x85: {  	_ =	shalt  }
0x86: {  	_ =	shalt  }
0x87: {  	_ =	shalt  }
.Lfunc_end0:
.L_simem_size_0:
called_computation_lowered:
.L_overlay_start_0:
0x88: {  	s2 =	sld [smem:$0x3FD9]  }
0x89: {  	s3 =	sld [smem:$0x3FFE];
	_ =	sdelay $0x1  }
0x8a: {  	s1 =	srdreg.scid  }
0x8b: {  	s0 =	sand.u32 $0x1, s1  }
0x8c: {  	s17 =	sshll.u32 s0, $0xA;
	s2 =	sadd.s32 s3, s2  }
0x8d: {  	s2 =	sadd.s32 s2, s17  }
0x8e: {  	[smem:$0x3FC3] =	sst s2  }
0x8f: {  	_ = 	snop  }
0x90: {  	s2 =	sld [smem:$0x3FC9]  }
0x91: {  	s18 =	sld [smem:$0x3FC8];
	(tm) =	ssettm $0x1  }
0x92: {  	s4 =	sld [smem:$0x3FFB];
	_ =	sdelay $0x3  }
0x93: {  	_ =	strace s4  }
0x94: {  	s4 =	sld [smem:$0x3FFC];
	_ =	sdelay $0x3  }
0x95: {  	_ =	strace s4  }
0x96: {  	s4 =	sld [smem:$0x3FFD];
	_ =	sdelay $0x3  }
0x97: {  	_ =	strace s4  }
0x98: {  	_ =	strace $0x8FFFFFFF  }
0x99: {  	s19 =	sld [smem:$0x3FDB];
	_ =	sdelay $0x1  }
0x9a: {  	s5 =	simm.s32 $_scs_section_size  }
0x9b: {  	s6 =	simm.s32 $_size__tile_overlayer_lowered;
	s7 =	simm.s32 $_tile_overlayer_lowered  }
0x9c: {  	s22 =	simm.s32 $0x1BFF;
	s21 =	sshll.u32 s7, $0x1;
	s4 =	sadd.s32 s5, s19  }
0x9d: {  	s8 =	simm.s32 $0x0;
	s20 =	sshll.u32 s6, $0x1;
	s6 =	sadd.s32 s21, s4  }
0x9e: {  	[timem:s8], [sflag:s22] =	dma.local [hbm:s6], s20  }
0x9f: {  	_ =	swait.ge [sflag:s22], s20  }
0xa0: {  	s5 =	ssub.s32 $0x0, s20;
	[sflag:s22] =	ssyncset.done $0x0  }
0xa1: {  	[sflag:s22] =	ssyncadd.s32 s5;
	_ =	sdelay $0x1  }
0xa2: {  	s23 =	simm.s32 $0x1B8B  }
0xa3: {  	_ =	swait.ge [sflag:s23], $0x1  }
0xa4: {  	[sflag:s23] =	ssyncset.done $0x0  }
0xa5: {  	s25 =	simm.s32 $0x1B8E;
	s24 =	sld [smem:$0x3FFE];
	[sflag:s23] =	ssyncadd.s32 $0xFFFFFFFF  }
0xa6: {  	s26 =	simm.s32 $execute0_lowered;
	[smem:$0x3FD2] =	sst s25  }
0xa7: {  	s6 =	sshll.u32 s26, $0x1;
	_ =	strace $0x80000046;
	[dreg:$0x1] =	wrdreg $0xFFFFFFFF  }
0xa8: {  	s28 =	simm.s32 $_size_execute0_lowered;
	s4 =	sadd.s32 s4, s6;
	[dreg:$0x0] =	wrdreg $0x0  }
0xa9: {  	s6 =	sshll.u32 s28, $0x1;
	[dreg:$0x2] =	wrdreg s4  }
0xaa: {  	[dreg:$0x3] =	wrdreg s6  }
0xab: {  	[dreg:$0x4] =	wrdreg $0xC0  }
0xac: {  	_ =	task [dreg:s8], $0x5FFFF  }
0xad: {  	[dreg:$0x1] =	wrdreg $0xFFFFFFFF  }
0xae: {  	[dreg:$0x0] =	wrdreg $0x60  }
0xaf: {  	[dreg:$0x2] =	wrdreg s2  }
0xb0: {  	[dreg:$0x3] =	wrdreg s18  }
0xb1: {  	[dreg:$0x4] =	wrdreg s24  }
0xb2: {  	[dreg:$0x5] =	wrdreg $0xF2000  }
0xb3: {  	[dreg:$0x6] =	wrdreg $0x9  }
0xb4: {  	_ =	task.clear_ibuf [dreg:s8], $0x7FFFF;
	_ =	strace $0x90000046  }
0xb5: {  	s29 =	simm.s32 $0x9;
	_ =	strace $0x80000048  }
0xb6: {  	_ =	swait.ge [sflag:s29], $0x1  }
0xb7: {  	[sflag:s29] =	ssyncadd.s32 $0xFFFFFFFF  }
0xb8: {  	_ =	strace $0x90000048  }
0xb9: {  	_ =	sfence  }
0xba: {  	s30 =	sld [smem:$0x0];
	_ =	sdelay $0x2  }
0xbb: {  	s31 =	sshll.u32 s1, $0xD;
	s1 =	sshrl.u32 s1, $0x2  }
0xbc: {  	s3 =	sand.u32 $0x4000, s31;
	s1 =	sadd.s32 s1, s30  }
0xbd: {  	s0 =	sor.u32 s3, s0;
	s1 =	sshll.u32 s1, $0x11  }
0xbe: {  	s0 =	sor.u32 s1, s0  }
0xbf: {  	s0 =	sadd.s32 $0x8F2B, s0  }
0xc0: {  	[sflag:s0] =	ssyncadd.remote.s32 $0x1  }
0xc1: {  	_ =	sfence.sel $0xFFFF  }
0xc2: {  	[dreg:$0x0] =	wrdreg $0xFFFFFFFF;
	(pc) =	sbr.abs _section_cstart, $3  }
0xc3: {  	[dreg:$0x1] =	wrdreg $0xFFFFFFFF  }
0xc4: {  	_ =	task.clear_ibuf [dreg:s8], $0x2FFFF;
	_ =	strace $0x9FFFFFFF  }
0xc5: {  	(tm) =	ssettm $0x7FFFFFFF  }
tec
execute0_lowered:
.L_overlay_start_1:
0x0: {  	(tag) =	ssettag $0x1  }
0x1: {  	s0 =	rddreg [dreg:$0x0]  }
0x2: {  	s2 =	rddreg [dreg:$0x1]  }
0x3: {  	s4 =	rddreg [dreg:$0x2]  }
0x4: {  	s1 =	rddreg [dreg:$0x3];
	s3 =	simm.s32 $0x0;
	s14 =	stileid.u32  }
0x5: {  	s5 =	srdreg.scid;
	s28 =	simm.s32 $0x6;
	s29 =	simm.s32 $0x0  }
0x6: {  	[smem:$0x7FF] =	sst s3;
	s6 =	sshll.u32 s14, $0xA;
	s7 =	sand.u32 $0x1, s5  }
0x7: {  	s15 =	sshll.u32 s14, $0x1;
	s9 =	sshll.u32 s14, $0xD;
	s5 =	simm.s32 $0x19  }
0x8: {  	s21 =	smul.u32 $0x30, s14;
	s25 =	sadd.s32 $0x186800, s0;
	s26 =	sadd.s32 $0x30D0, s2  }
0x9: {  	_ =	strace $0x80000047;
	s6 =	sadd.s32 s6, s4;
	s16 =	ssub.s32 $0x2, s7  }
0xa: {  	s8 =	sor.u32 s7, s15;
	s4 =	sadd.s32 s9, s1;
	[dreg:$0xb] =	wrdreg s25  }
0xb: {  	s23 =	smul.u32 $0x18, s7;
	s7 =	sshll.u32 s7, $0xE;
	[dreg:$0xc] =	wrdreg s26  }
0xc: {  	s25 =	simm.s32 $0x4;
	s26 =	simm.s32 $0x5;
	s17 =	sshrl.u32 s16, $0x1  }
0xd: {  	s10 =	smul.u32 $0x18, s8;
	s11 =	smin.u32 s8, $0xD;
	p0 =	slt.u32 s8, $0xD  }
0xe: {  	s6 =	sadd.s32 s7, s6;
	s13 =	ssub.s32 s16, s17;
	s5 =	simm.s32 @!p0 $0x18  }
0xf: {  	s6 =	sadd.s32 $0xC00, s6;
	p0 =	sne.s32 s8, $0x1F;
	s18 =	sadd.s32 s11, s10  }
0x10: {  	s22 =	sadd.s32 $0xFFFFFFFF, s5;
	s15 =	sadd.s32 $0xFFFFFFFE, s5;
	[dreg:$0xd] =	wrdreg s6  }
0x11: {  	s13 =	smax.u32 s13, $0x1;
	s10 =	sshll.u32 s18, $0xB;
	[dreg:$0x5] =	wrdreg s22  }
0x12: {  	s12 =	sshll.u32 s18, $0x7;
	s9 =	sshll.u32 s18, $0x4;
	[dreg:$0x6] =	wrdreg s15  }
0x13: {  	s10 =	sadd.s32 s0, s10;
	s19 =	sadd.s32 $0x80, s12;
	s9 =	sadd.s32 s2, s9  }
0x14: {  	s12 =	sadd.s32 s23, s21;
	s21 =	simm.s32 $0x7;
	[dreg:$0x7] =	wrdreg s10  }
0x15: {  	[dreg:$0x8] =	wrdreg s9;
	s20 =	sshll.u32 s19, $0x4;
	s10 =	sshrl.u32 s19, $0x3  }
0x16: {  	s14 =	sadd.s32 s11, s12;
	s9 =	sadd.s32 s0, s20;
	s24 =	sadd.s32 s2, s10  }
0x17: {  	s30 =	sshll.u32 s14, $0x4;
	s31 =	sshll.u32 s14, $0xB;
	[dreg:$0x9] =	wrdreg s9  }
0x18: {  	[dreg:$0xa] =	wrdreg s24;
	s2 =	sadd.s32 s30, s2;
	s0 =	sadd.s32 s31, s0  }
0x19: {  	s20 =	sadd.s32 $0x40, s2;
	s6 =	sadd.s32 $0x2000, s0;
	s16 =	sadd.s32 $0x30, s2  }
0x1a: {  	v0 =	vimm.f32 $0.0e+00;
	s17 =	sadd.s32 $0x1800, s0;
	s18 =	sadd.s32 $0x20, s2;
	s19 =	sadd.s32 $0x1000, s0  }
.LBB2_1:
0x1b: {  	s0 =	simm.s32 $0x0;
	s2 =	simm.s32 $0x200  }
.LBB2_2:
0x1c: {  	p1 =	sne.s32 s2, $0x7E00;
	[tilespmem:s0+$0xD270] =	vst v0  }
0x1d: {  	[tilespmem:s0+$0xD200] =	vst v0  }
0x1e: {  	[tilespmem:s0+$0xD210] =	vst v0  }
.Ltmp0:
0x1f: {  	[tilespmem:s0+$0xD220] =	vst v0;
	(pc) =	sbr.rel @p1 .LBB2_2-.Ltmp0, $4  }
0x20: {  	[tilespmem:s0+$0xD230] =	vst v0  }
0x21: {  	[tilespmem:s0+$0xD240] =	vst v0  }
0x22: {  	[tilespmem:s0+$0xD250] =	vst v0  }
0x23: {  	[tilespmem:s0+$0xD260] =	vst v0;
	s0 =	sshra.s32 s2, $0x2;
	s2 =	sadd.s32 $0x200, s2  }
0x24: {  	[tilespmem:s0+$0xD270] =	vst v0  }
0x25: {  	[tilespmem:s0+$0xD200] =	vst v0  }
0x26: {  	[tilespmem:s0+$0xD210] =	vst v0  }
0x27: {  	[tilespmem:s0+$0xD220] =	vst v0  }
0x28: {  	[tilespmem:s0+$0xD230] =	vst v0  }
0x29: {  	[tilespmem:s0+$0xD240] =	vst v0  }
0x2a: {  	[tilespmem:s0+$0xD250] =	vst v0  }
0x2b: {  	[tilespmem:s0+$0xD260] =	vst v0;
	s9 =	simm.s32 $0xD200  }
0x2c: {  	[spmem:s4] =	stream.linear.scatter [tilespmem:s9], [sflag:$0x7], $0x2000, $0x38;
	[tilespmem:$0x11200] =	vst v63  }
0x2d: {  	_ =	swait.ge [sflag:s21], $0x2000  }
0x2e: {  	[sflag:s21] =	ssyncset.done $0x0  }
0x2f: {  	[sflag:s21] =	ssyncadd.s32 $0xFFFFE000  }
0x30: {  	[bflag:$0x0] =	sbarrier.arrive $0xFFFF  }
0x31: {  	s10 =	rddreg [dreg:$0x7]  }
0x32: {  	[tilespmem:s3], [sflag:$0x1] =	stream.linear.gather [hbm4b:s10+s3], $0x4000, $0x38;
	[tilespmem:$0x11200] =	vst v63  }
0x33: {  	s2 =	simm.s32 $0xC000;
	s11 =	rddreg [dreg:$0x8]  }
0x34: {  	[tilespmem:s2], [sflag:$0x1] =	stream.linear.gather [hbm4b:s11+s3], $0x80, $0x38;
	[tilespmem:$0x11200] =	vst v63  }
0x35: {  	s14 =	simm.s32 $0x4000;
	p2 =	sle.u32 s5, $0x0;
	s12 =	rddreg [dreg:$0x9]  }
0x36: {  	[tilespmem:s14], [sflag:$0x2] =	stream.linear.gather [hbm4b:s12+s3], $0x4000, $0x38;
	[tilespmem:$0x11200] =	vst v63  }
0x37: {  	s22 =	simm.s32 $0xC080;
	s0 =	simm.s32 @!p2 $0x1;
	s15 =	rddreg [dreg:$0xa]  }
0x38: {  	[tilespmem:s22], [sflag:$0x2] =	stream.linear.gather [hbm4b:s15+s3], $0x80, $0x38;
	[tilespmem:$0x11200] =	vst v63  }
0x39: {  	p3 =	sle.u32 @!p2 s5, $0x2;
	_ =	swait.ge @!p2 [sflag:s0], $0x4000  }
0x3a: {  	p1 =	por p3, p2;
	[sflag:s0] =	ssyncset.done @!p2 $0x0  }
0x3b: {  	p4 =	por @!p1 $0x1, $0x1;
	[sflag:s0] =	ssyncadd.s32 @!p2 $0xFFFFC000  }
0x3c: {  	s7 =	simm.s32 @!p2 $0x0;
	p3 =	por @!p2 p4, p3;
	_ =	swait.ge @!p2 [sflag:s0], $0x80  }
0x3d: {  	s8 =	simm.s32 @!p2 $0xC000;
	p3 =	por p3, p2;
	[sflag:s0] =	ssyncset.done @!p2 $0x0  }
0x3e: {  	s2 =	simm.s32 @!p3 $0x6;
	[sflag:s0] =	ssyncadd.s32 @!p2 $0xFFFFFF80;
	s0 =	simm.s32 @!p2 $0x80  }
0x3f: {  	[spmem:s1] =	stream.indirect.scatter.add.f32 @!p2 [tilespmem:s7], [sflag:$0x4], $0x80, s8, s0, $0xb8;
	[tilespmem:$0x11200] =	vst v63  }
0x40: {  	_ =	swait.ge @!p3 [sflag:s2], $0x4000  }
0x41: {  	s7 =	simm.s32 @!p1 $0x8000;
	[sflag:s2] =	ssyncset.done @!p3 $0x0;
	s23 =	rddreg [dreg:$0x5]  }
0x42: {  	[sflag:s2] =	ssyncadd.s32 @!p3 $0xFFFFC000;
	s2 =	simm.s32 @!p1 $0x0;
	p2 =	sle.u32 s23, $0x0  }
0x43: {  	[tilespmem:s7], [sflag:$0x3] =	stream.linear.gather @!p1 [hbm4b:s19+s2], $0x4000, $0x38;
	[tilespmem:$0x11200] =	vst v63  }
0x44: {  	s0 =	simm.s32 @!p1 $0xC100;
	s7 =	simm.s32 @!p2 $0x2  }
0x45: {  	[tilespmem:s0], [sflag:$0x3] =	stream.linear.gather @!p1 [hbm4b:s18+s2], $0x80, $0x38;
	[tilespmem:$0x11200] =	vst v63  }
0x46: {  	_ =	swait.ge @!p2 [sflag:s7], $0x4000  }
0x47: {  	[sflag:s7] =	ssyncset.done @!p2 $0x0  }
0x48: {  	[sflag:s7] =	ssyncadd.s32 @!p2 $0xFFFFC000  }
0x49: {  	p1 =	sle.u32 @!p2 s5, $0x3;
	s0 =	simm.s32 @!p2 $0xC080;
	_ =	swait.ge @!p2 [sflag:s7], $0x80  }
0x4a: {  	s2 =	simm.s32 @!p2 $0x4000;
	p3 =	por p1, p2;
	[sflag:s7] =	ssyncset.done @!p2 $0x0  }
0x4b: {  	s8 =	simm.s32 @!p3 $0x4;
	[sflag:s7] =	ssyncadd.s32 @!p2 $0xFFFFFF80;
	s7 =	simm.s32 @!p2 $0x80  }
0x4c: {  	[spmem:s1] =	stream.indirect.scatter.add.f32 @!p2 [tilespmem:s2], [sflag:$0x5], $0x80, s0, s7, $0xb8;
	[tilespmem:$0x11200] =	vst v63  }
0x4d: {  	_ =	swait.ge @!p3 [sflag:s8], $0x4000  }
0x4e: {  	[sflag:s8] =	ssyncset.done @!p3 $0x0;
	s24 =	rddreg [dreg:$0x6]  }
0x4f: {  	s2 =	simm.s32 @!p3 $0x0;
	[sflag:s8] =	ssyncadd.s32 @!p3 $0xFFFFC000;
	p1 =	sle.u32 s24, $0x0  }
0x50: {  	[tilespmem:s2], [sflag:$0x1] =	stream.linear.gather @!p3 [hbm4b:s17+s2], $0x4000, $0x38;
	[tilespmem:$0x11200] =	vst v63  }
0x51: {  	s7 =	simm.s32 @!p3 $0xC000;
	s0 =	simm.s32 @!p1 $0x3  }
0x52: {  	[tilespmem:s7], [sflag:$0x1] =	stream.linear.gather @!p3 [hbm4b:s16+s2], $0x80, $0x38;
	[tilespmem:$0x11200] =	vst v63  }
0x53: {  	s30 =	simm.s32 $0x7;
	_ =	swait.ge @!p1 [sflag:s0], $0x4000  }
0x54: {  	s31 =	sadd.s32 $0x30, s18;
	s14 =	smov.u32 s20;
	[sflag:s0] =	ssyncset.done @!p1 $0x0  }
0x55: {  	s22 =	sadd.s32 $0x1800, s17;
	s15 =	smov.u32 s6;
	[sflag:s0] =	ssyncadd.s32 @!p1 $0xFFFFC000  }
0x56: {  	s23 =	sadd.s32 $0x30, s20;
	s24 =	sadd.s32 $0x1800, s6;
	_ =	swait.ge @!p1 [sflag:s0], $0x80  }
0x57: {  	p2 =	sle.u32 @!p1 s5, $0x4;
	s2 =	simm.s32 @!p1 $0x8000;
	[sflag:s0] =	ssyncset.done @!p1 $0x0  }
0x58: {  	s7 =	simm.s32 @!p1 $0xC100;
	[sflag:s0] =	ssyncadd.s32 @!p1 $0xFFFFFF80;
	s0 =	simm.s32 @!p1 $0x80  }
0x59: {  	[spmem:s1] =	stream.indirect.scatter.add.f32 @!p1 [tilespmem:s2], [sflag:$0x6], $0x80, s7, s0, $0xb8;
	[tilespmem:$0x11200] =	vst v63  }
0x5a: {  	p2 =	por p2, p1;
	s0 =	sadd.s32 $0x1800, s19;
	s2 =	sadd.s32 $0x30, s16  }
.LBB2_4:
0x5b: {  	s9 =	simm.s32 @!p2 $0x5  }
0x5c: {  	s8 =	sadd.s32 $0xFFFFFFFC, s30;
	_ =	swait.ge @!p2 [sflag:s9], $0x4000  }
0x5d: {  	s7 =	smov.u32 s30;
	s10 =	simm.s32 @!p2 $0x4000;
	[sflag:s9] =	ssyncset.done @!p2 $0x0  }
0x5e: {  	s12 =	simm.s32 @!p2 $0x0;
	p4 =	sge.u32 s8, s5;
	[sflag:s9] =	ssyncadd.s32 @!p2 $0xFFFFC000  }
0x5f: {  	[tilespmem:s10], [sflag:$0x2] =	stream.linear.gather @!p2 [hbm4b:s15+s12], $0x4000, $0x38;
	[tilespmem:$0x11200] =	vst v63  }
0x60: {  	s11 =	sadd.s32 @!p4 $0xFFFFFFFE, s7;
	s9 =	simm.s32 @!p2 $0xC080;
	s10 =	simm.s32 @!p4 $0x1  }
0x61: {  	[tilespmem:s9], [sflag:$0x2] =	stream.linear.gather @!p2 [hbm4b:s14+s12], $0x80, $0x38;
	[tilespmem:$0x11200] =	vst v63  }
0x62: {  	p5 =	sge.u32 @!p4 s11, s5;
	_ =	swait.ge @!p4 [sflag:s10], $0x4000  }
0x63: {  	p3 =	por p5, p4;
	[sflag:s10] =	ssyncset.done @!p4 $0x0  }
0x64: {  	p2 =	seq.s32 @!p3 s7, $0x4;
	[sflag:s10] =	ssyncadd.s32 @!p4 $0xFFFFC000  }
0x65: {  	s11 =	simm.s32 @!p4 $0x0;
	p2 =	por @!p4 p2, p5;
	_ =	swait.ge @!p4 [sflag:s10], $0x80  }
0x66: {  	s12 =	simm.s32 @!p4 $0xC000;
	p2 =	por p2, p4;
	[sflag:s10] =	ssyncset.done @!p4 $0x0  }
0x67: {  	s9 =	simm.s32 @!p2 $0x6;
	[sflag:s10] =	ssyncadd.s32 @!p4 $0xFFFFFF80;
	s10 =	simm.s32 @!p4 $0x80  }
0x68: {  	[spmem:s1] =	stream.indirect.scatter.add.f32 @!p4 [tilespmem:s11], [sflag:$0x4], $0x80, s12, s10, $0xb8;
	[tilespmem:$0x11200] =	vst v63  }
0x69: {  	_ =	swait.ge @!p2 [sflag:s9], $0x4000  }
0x6a: {  	s11 =	simm.s32 @!p3 $0x8000;
	[sflag:s9] =	ssyncset.done @!p2 $0x0;
	s12 =	rddreg [dreg:$0x5]  }
0x6b: {  	[sflag:s9] =	ssyncadd.s32 @!p2 $0xFFFFC000;
	s9 =	simm.s32 @!p3 $0x0;
	p2 =	sge.u32 s8, s12  }
0x6c: {  	[tilespmem:s11], [sflag:$0x3] =	stream.linear.gather @!p3 [hbm4b:s0+s9], $0x4000, $0x38;
	[tilespmem:$0x11200] =	vst v63  }
0x6d: {  	s10 =	simm.s32 @!p3 $0xC100;
	s11 =	simm.s32 @!p2 $0x2  }
0x6e: {  	[tilespmem:s10], [sflag:$0x3] =	stream.linear.gather @!p3 [hbm4b:s31+s9], $0x80, $0x38;
	[tilespmem:$0x11200] =	vst v63  }
0x6f: {  	_ =	swait.ge @!p2 [sflag:s11], $0x4000  }
0x70: {  	[sflag:s11] =	ssyncset.done @!p2 $0x0  }
0x71: {  	s30 =	sadd.s32 $0x3, s30;
	s12 =	sadd.s32 @!p2 $0xFFFFFFFF, s7;
	[sflag:s11] =	ssyncadd.s32 @!p2 $0xFFFFC000  }
0x72: {  	p3 =	sge.u32 @!p2 s12, s5;
	s9 =	simm.s32 @!p2 $0xC080;
	_ =	swait.ge @!p2 [sflag:s11], $0x80  }
0x73: {  	s10 =	simm.s32 @!p2 $0x4000;
	p4 =	por p3, p2;
	[sflag:s11] =	ssyncset.done @!p2 $0x0  }
0x74: {  	s12 =	simm.s32 @!p4 $0x4;
	[sflag:s11] =	ssyncadd.s32 @!p2 $0xFFFFFF80;
	s11 =	simm.s32 @!p2 $0x80  }
0x75: {  	[spmem:s1] =	stream.indirect.scatter.add.f32 @!p2 [tilespmem:s10], [sflag:$0x5], $0x80, s9, s11, $0xb8;
	[tilespmem:$0x11200] =	vst v63  }
0x76: {  	p1 =	sne.s32 s30, $0x1F;
	_ =	swait.ge @!p4 [sflag:s12], $0x4000  }
0x77: {  	s15 =	smov.u32 s24;
	[sflag:s12] =	ssyncset.done @!p4 $0x0;
	s9 =	rddreg [dreg:$0x6]  }
0x78: {  	s10 =	simm.s32 @!p4 $0x0;
	[sflag:s12] =	ssyncadd.s32 @!p4 $0xFFFFC000;
	p3 =	sge.u32 s8, s9  }
0x79: {  	[tilespmem:s10], [sflag:$0x1] =	stream.linear.gather @!p4 [hbm4b:s22+s10], $0x4000, $0x38;
	[tilespmem:$0x11200] =	vst v63  }
0x7a: {  	s24 =	sadd.s32 $0x1800, s24;
	s11 =	simm.s32 @!p4 $0xC000;
	s8 =	simm.s32 @!p3 $0x3  }
0x7b: {  	[tilespmem:s11], [sflag:$0x1] =	stream.linear.gather @!p4 [hbm4b:s2+s10], $0x80, $0x38;
	[tilespmem:$0x11200] =	vst v63  }
0x7c: {  	s14 =	smov.u32 s23;
	s23 =	sadd.s32 $0x30, s23;
	_ =	swait.ge @!p3 [sflag:s8], $0x4000  }
0x7d: {  	s0 =	sadd.s32 $0x1800, s0;
	s31 =	sadd.s32 $0x30, s31;
	[sflag:s8] =	ssyncset.done @!p3 $0x0  }
.Ltmp1:
0x7e: {  	p2 =	sge.u32 @!p3 s7, s5;
	[sflag:s8] =	ssyncadd.s32 @!p3 $0xFFFFC000;
	(pc) =	sbr.rel @p1 .LBB2_4-.Ltmp1, $4  }
0x7f: {  	s22 =	sadd.s32 $0x1800, s22;
	s7 =	simm.s32 @!p3 $0x8000;
	_ =	swait.ge @!p3 [sflag:s8], $0x80  }
0x80: {  	s9 =	simm.s32 @!p3 $0xC100;
	p2 =	por p2, p3;
	[sflag:s8] =	ssyncset.done @!p3 $0x0  }
0x81: {  	s2 =	sadd.s32 $0x30, s2;
	[sflag:s8] =	ssyncadd.s32 @!p3 $0xFFFFFF80;
	s8 =	simm.s32 @!p3 $0x80  }
0x82: {  	[spmem:s1] =	stream.indirect.scatter.add.f32 @!p3 [tilespmem:s7], [sflag:$0x6], $0x80, s9, s8, $0xb8;
	[tilespmem:$0x11200] =	vst v63  }
0x83: {  	s0 =	simm.s32 @!p2 $0x5  }
0x84: {  	_ =	swait.ge @!p2 [sflag:s0], $0x4000  }
0x85: {  	[sflag:s0] =	ssyncset.done @!p2 $0x0  }
0x86: {  	s2 =	simm.s32 @!p2 $0x4000;
	s7 =	simm.s32 @!p2 $0x0;
	[sflag:s0] =	ssyncadd.s32 @!p2 $0xFFFFC000  }
0x87: {  	[tilespmem:s2], [sflag:$0x2] =	stream.linear.gather @!p2 [hbm4b:s15+s7], $0x4000, $0x38;
	[tilespmem:$0x11200] =	vst v63  }
0x88: {  	s0 =	simm.s32 @!p2 $0xC080  }
0x89: {  	[tilespmem:s0], [sflag:$0x2] =	stream.linear.gather @!p2 [hbm4b:s14+s7], $0x80, $0x38;
	[tilespmem:$0x11200] =	vst v63  }
0x8a: {  	_ =	swait.ge [sflag:s25], $0x4000  }
0x8b: {  	[sflag:s25] =	ssyncset.done $0x0  }
0x8c: {  	[sflag:s25] =	ssyncadd.s32 $0xFFFFC000  }
0x8d: {  	_ =	swait.ge [sflag:s26], $0x4000  }
0x8e: {  	[sflag:s26] =	ssyncset.done $0x0  }
0x8f: {  	[sflag:s26] =	ssyncadd.s32 $0xFFFFC000  }
0x90: {  	_ =	swait.ge [sflag:s28], $0x4000  }
0x91: {  	s2 =	simm.s32 @!p0 $0xC180;
	[sflag:s28] =	ssyncset.done $0x0  }
0x92: {  	s0 =	simm.s32 @!p0 $0x0;
	s7 =	rddreg [dreg:$0xb];
	[sflag:s28] =	ssyncadd.s32 $0xFFFFC000  }
0x93: {  	[tilespmem:s2], [sflag:$0x7] =	stream.linear.gather @!p0 [hbm4b:s7+s0], $0x1000, $0x38;
	[tilespmem:$0x11200] =	vst v63  }
0x94: {  	s7 =	simm.s32 @!p0 $0x7  }
0x95: {  	_ =	swait.ge @!p0 [sflag:s7], $0x1000  }
0x96: {  	[sflag:s7] =	ssyncset.done @!p0 $0x0  }
0x97: {  	s8 =	simm.s32 @!p0 $0xD180;
	s9 =	rddreg [dreg:$0xc];
	[sflag:s7] =	ssyncadd.s32 @!p0 $0xFFFFF000  }
0x98: {  	[tilespmem:s8], [sflag:$0x7] =	stream.linear.gather @!p0 [hbm4b:s9+s0], $0x20, $0x38;
	[tilespmem:$0x11200] =	vst v63  }
0x99: {  	_ =	swait.ge @!p0 [sflag:s7], $0x20  }
0x9a: {  	[sflag:s7] =	ssyncset.done @!p0 $0x0  }
0x9b: {  	s0 =	simm.s32 @!p0 $0x20;
	[sflag:s7] =	ssyncadd.s32 @!p0 $0xFFFFFFE0  }
0x9c: {  	[spmem:s1] =	stream.indirect.scatter.add.f32 @!p0 [tilespmem:s2], [sflag:$0x7], $0x80, s8, s0, $0xb8;
	[tilespmem:$0x11200] =	vst v63  }
0x9d: {  	_ =	swait.ge @!p0 [sflag:s7], $0x1000  }
0x9e: {  	s24 =	stileid.u32;
	[sflag:s7] =	ssyncset.done @!p0 $0x0  }
0x9f: {  	s30 =	sshrl.u32 s4, $0x3;
	s29 =	sadd.s32 $0x1, s29;
	[sflag:s7] =	ssyncadd.s32 @!p0 $0xFFFFF000  }
0xa0: {  	p1 =	sne.s32 s29, s13;
	s0 =	sshll.u32 s24, $0x6;
	[bflag:$0x0] =	sbarrier.arrive $0xFFFF  }
.Ltmp2:
0xa1: {  	s0 =	sor.u32 $0x1C07, s0;
	s31 =	rddreg [dreg:$0xd];
	(pc) =	sbr.rel @p1 .LBB2_1-.Ltmp2, $4  }
0xa2: {  	[hbm:s31], [sflag:s0] =	dma.local [spmem:s30], $0x400  }
0xa3: {  	_ =	swait.ge [sflag:s21], $0x400  }
0xa4: {  	[sflag:s21] =	ssyncset.done $0x0  }
0xa5: {  	[sflag:s21] =	ssyncadd.s32 $0xFFFFFC00  }
0xa6: {  	_ =	sfence.sel $0x180000  }
0xa7: {  	[bflag:$0x0] =	sbarrier.arrive $0xFFFF  }
0xa8: {  	_ =	strace $0x90000047  }
0xa9: {  	s0 =	stileid.u32;
	[bflag:$0x2] =	sbarrier.arrive $0xFFFF  }
0xaa: {  	p0 =	sne.s32 s0, $0x0;
	s0 =	rddreg [dreg:$0x4]  }
0xab: {  	s0 =	sadd.s32 @!p0 $0x100000, s0  }
0xac: {  	[sflag:s0] =	ssyncadd.tile.s32 @!p0 $0x1;
	_ =	shalt  }
.Lfunc_end2:
_tile_overlayer_lowered:
.L_overlay_start_2:
0xad: {  	(tag) =	ssettag $0x2  }
0xae: {  	s0 =	rddreg [dreg:$0x0];
	s2 =	stileid.u32  }
0xaf: {  	s1 =	rddreg [dreg:$0x1];
	p0 =	sne.s32 s2, $0x0  }
0xb0: {  	s3 =	rddreg [dreg:$0x2];
	[bflag:$0x3] =	sbarrier.arrive $0xFFFF;
	s2 =	simm.s32 @!p0 $0x1C07  }
0xb1: {  	[timem:s3], [sflag:s2] =	dma.local @!p0 [hbm:s0], s1  }
0xb2: {  	s0 =	simm.s32 @!p0 $0x7  }
0xb3: {  	_ =	swait.ge @!p0 [sflag:s0], s1  }
0xb4: {  	s1 =	ssub.s32 @!p0 $0x0, s1;
	[sflag:s0] =	ssyncset.done @!p0 $0x0  }
0xb5: {  	[sflag:s0] =	ssyncadd.s32 @!p0 s1  }
0xb6: {  	[bflag:$0x3] =	sbarrier.arrive $0xFFFF  }
0xb7: {  	_ =	shalt  }

</sc_bundles>
